<compile_context>
chip_gen: v7x
topology: tpu7x:2x2x1
jax: 0.10.2.dev20260603
libtpu: 0.0.44.dev20260713+nightly
codegen_flags: <defaults>
</compile_context>

<pallas_src>
import functools

import jax
import jax.numpy as jnp
from jax import lax
from jax.experimental import pallas as pl
from jax.experimental.pallas import tpu as pltpu
from jax.experimental.pallas import tpu_sc as plsc

_B, _M, _C = 8, 16384, 64
_S = 1024
_N = _B * _M
_EPS = 1e-5
_MLP = (32, 64, 64)
_TOPK = 64

_STAT_TILE = 4096
_LOGIT_TILE = 512

_PCOLS = 15


def _col(p_ref, ch, j):
    return p_ref[:ch, j:j + 1]


def _apply_bn(a, p_ref, i):
    ch = _MLP[i]
    x = a + _col(p_ref, ch, 5 * i + 0)
    x = x - _col(p_ref, ch, 5 * i + 1)
    x = _col(p_ref, ch, 5 * i + 2) * x
    x = x * _col(p_ref, ch, 5 * i + 3)
    x = x + _col(p_ref, ch, 5 * i + 4)
    return jnp.maximum(x, 0.0)


def _mlp_chain(h, ws, p_ref, upto):
    a = None
    for i in range(min(upto + 1, 3)):
        a = jnp.dot(ws[i][...], h, preferred_element_type=jnp.float32)
        if i < upto:
            h = _apply_bn(a, p_ref, i)
    return h, a


def _stats_call(coordT, w0, w1, w2, params, upto, centered):
    ch = _MLP[upto]
    tile = _STAT_TILE
    mt = _M // tile
    grid = (_B * mt,)

    def body(ct_ref, w0_ref, w1_ref, w2_ref, p_ref, s_ref):
        ws = (w0_ref, w1_ref, w2_ref)
        _, a = _mlp_chain(ct_ref[0], ws, p_ref, upto)
        x = a + _col(p_ref, ch, 5 * upto + 0)
        if centered:
            dcen = x - _col(p_ref, ch, 5 * upto + 1)
            s_ref[0, 0, :ch] = jnp.sum(dcen * dcen, axis=1)
        else:
            s_ref[0, 0, :ch] = jnp.sum(x, axis=1)
        if ch < 64:
            s_ref[0, 0, ch:] = jnp.zeros((64 - ch,), jnp.float32)

    s = pl.pallas_call(
        body,
        grid=grid,
        in_specs=[
            pl.BlockSpec((1, 3, tile), lambda i: (i // mt, 0, i % mt)),
            pl.BlockSpec((32, 3), lambda i: (0, 0)),
            pl.BlockSpec((64, 32), lambda i: (0, 0)),
            pl.BlockSpec((64, 64), lambda i: (0, 0)),
            pl.BlockSpec((64, _PCOLS), lambda i: (0, 0)),
        ],
        out_specs=pl.BlockSpec((1, 1, 64), lambda i: (i, 0, 0)),
        out_shape=jax.ShapeDtypeStruct((_B * mt, 1, 64), jnp.float32),
    )(coordT, w0, w1, w2, params)
    return jnp.sum(s[:, 0, :ch], axis=0)


def _logits_call(coordT, w0, w1, w2, wl, bl2, params):
    tile = _LOGIT_TILE
    grid = (_B, _M // tile)

    def body(ct_ref, w0_ref, w1_ref, w2_ref, wl_ref, bl_ref, p_ref, o_ref):
        ws = (w0_ref, w1_ref, w2_ref)
        h, _ = _mlp_chain(ct_ref[0], ws, p_ref, 3)
        x = jnp.dot(wl_ref[...], h, preferred_element_type=jnp.float32)
        o_ref[0] = x + bl_ref[...]

    return pl.pallas_call(
        body,
        grid=grid,
        in_specs=[
            pl.BlockSpec((1, 3, tile), lambda b, t: (b, 0, t)),
            pl.BlockSpec((32, 3), lambda b, t: (0, 0)),
            pl.BlockSpec((64, 32), lambda b, t: (0, 0)),
            pl.BlockSpec((64, 64), lambda b, t: (0, 0)),
            pl.BlockSpec((_S, 64), lambda b, t: (0, 0)),
            pl.BlockSpec((_S, 1), lambda b, t: (0, 0)),
            pl.BlockSpec((64, _PCOLS), lambda b, t: (0, 0)),
        ],
        out_specs=pl.BlockSpec((1, _S, tile), lambda b, t: (b, 0, t)),
        out_shape=jax.ShapeDtypeStruct((_B, _S, _M), jnp.float32),
    )(coordT, w0, w1, w2, wl, bl2, params)


def _bn_params(coordT, w0, w1, w2, params, i, b, g, beta):
    ch = _MLP[i]
    params = params.at[:ch, 5 * i + 0].set(b)
    params = params.at[:ch, 5 * i + 2].set(g)
    params = params.at[:ch, 5 * i + 4].set(beta)
    s = _stats_call(coordT, w0, w1, w2, params, i, centered=False)
    mean = s / _N
    params = params.at[:ch, 5 * i + 1].set(mean)
    v = _stats_call(coordT, w0, w1, w2, params, i, centered=True)
    var = v / _N
    r = jax.lax.rsqrt(var + _EPS)
    params = params.at[:ch, 5 * i + 3].set(r)
    return params


def _proj_call(h2, wl, bl2):
    tile = _LOGIT_TILE
    grid = (_B, _M // tile)

    def body(h_ref, wl_ref, bl_ref, o_ref):
        x = jnp.dot(wl_ref[...], h_ref[0], preferred_element_type=jnp.float32)
        o_ref[0] = x + bl_ref[...]

    return pl.pallas_call(
        body,
        grid=grid,
        in_specs=[
            pl.BlockSpec((1, 64, tile), lambda b, t: (b, 0, t)),
            pl.BlockSpec((_S, 64), lambda b, t: (0, 0)),
            pl.BlockSpec((_S, 1), lambda b, t: (0, 0)),
        ],
        out_specs=pl.BlockSpec((1, _S, tile), lambda b, t: (b, 0, t)),
        out_shape=jax.ShapeDtypeStruct((_B, _S, _M), jnp.float32),
    )(h2, wl, bl2)


def _conv_bn_relu_host(x, w, b, g, beta):
    x = jnp.einsum('oc,bcm->bom', w, x) + b[None, :, None]
    mean = jnp.mean(x, axis=(0, 2), keepdims=True)
    var = jnp.var(x, axis=(0, 2), keepdims=True)
    x = g[None, :, None] * (x - mean) / jnp.sqrt(var + _EPS) + beta[None, :, None]
    return jax.nn.relu(x)


_NIDX = _B * _S * _TOPK
_NW = 32
_PERW = _NIDX // _NW
_GCH = 128
_ICH = 2048


def _sc_gather(idx_flat, table):
    mesh = plsc.VectorSubcoreMesh(core_axis_name="c", subcore_axis_name="s")

    @functools.partial(
        pl.kernel, mesh=mesh,
        out_type=jax.ShapeDtypeStruct((_NIDX, 128), jnp.float32),
        scratch_types=[pltpu.VMEM((_ICH,), jnp.int32),
                       pltpu.VMEM((_GCH, 128), jnp.float32),
                       pltpu.SemaphoreType.DMA],
    )
    def k(idx_hbm, tab_hbm, out_hbm, idx_v, gv, sem):
        wid = lax.axis_index("s") * 2 + lax.axis_index("c")
        base = wid * _PERW

        def outer(i, carry):
            off = base + i * _ICH
            pltpu.sync_copy(idx_hbm.at[pl.ds(off, _ICH)], idx_v)

            def inner(j, carry2):
                sub = idx_v.at[pl.ds(j * _GCH, _GCH)]
                pltpu.async_copy(tab_hbm.at[sub], gv, sem).wait()
                pltpu.sync_copy(gv, out_hbm.at[pl.ds(off + j * _GCH, _GCH)])
                return carry2

            return lax.fori_loop(0, _ICH // _GCH, inner, carry)

        lax.fori_loop(0, _PERW // _ICH, outer, 0)

    return k(idx_flat, table)


def kernel(coordinate, feature, w0, b0, g0, beta0, w1, b1, g1, beta1,
           w2, b2, g2, beta2, w_last, b_last):
    coordT = jnp.transpose(coordinate, (0, 2, 1))
    h = _conv_bn_relu_host(coordT, w0, b0, g0, beta0)
    h = _conv_bn_relu_host(h, w1, b1, g1, beta1)
    h2 = _conv_bn_relu_host(h, w2, b2, g2, beta2)

    logits = _proj_call(h2, w_last, b_last[:, None])

    nch = 80
    cm16 = jnp.max(logits.reshape(_B, _S, _M // 16, 16), axis=-1)
    cis = jnp.sort(jax.lax.top_k(jax.nn.sigmoid(cm16), nch)[1], axis=-1)
    l4 = logits.reshape(_B, _S, _M // 16, 16)
    cand = jnp.take_along_axis(l4, cis[..., None], axis=2)
    cq = jax.nn.sigmoid(cand).reshape(_B, _S, nch * 16)
    _, p = jax.lax.top_k(cq, _TOPK)
    gi = jnp.take_along_axis(cis, p // 16, axis=-1) * 16 + (p % 16)

    idx_flat = (gi + (jnp.arange(_B, dtype=gi.dtype) * _M)[:, None, None]
                ).reshape(-1)
    table = jnp.concatenate(
        [feature.reshape(_N, _C), coordinate.reshape(_N, 3),
         jnp.zeros((_N, 61), jnp.float32)], axis=1)

    out = _sc_gather(idx_flat, table).reshape(_B, _S, _TOPK, 128)
    gf = out[..., :_C]
    gp = out[..., _C:_C + 3]

    return (gp[:, :, 0, :], gp[:, :, :32, :], gp,
            gf[:, :, 0, :], gf[:, :, :32, :], gf)

# --- scband reference (transcript-rebuilt; emitter-appended) ---
"""Pipeline reference for scband-psnmsg-76716705841954 (READ-ONLY COPY).

The authoritative reference and input builder live on the scoring server;
editing this copy changes nothing except your own understanding.
"""

import jax, jax.numpy as jnp
import numpy as np

B, M, C = 8, 16384, 64
S = 1024
MLP = [32, 64, 64]
MSG_N = [32, 64]
TOPK = max(MSG_N)
EPS = 1e-5


def setup_inputs(seed: int = 0):
    key = jax.random.key(seed)
    ks = jax.random.split(key, 8)
    coordinate = jax.random.normal(ks[0], (B, M, 3), dtype=jnp.float32)
    feature = jax.random.normal(ks[1], (B, M, C), dtype=jnp.float32)
    dims = [3] + MLP
    inp = {"coordinate": coordinate, "feature": feature}
    for i in range(len(MLP)):
        inp[f"w{i}"] = jax.random.normal(ks[2 + i], (MLP[i], dims[i]), dtype=jnp.float32) / np.sqrt(dims[i])
        inp[f"b{i}"] = jnp.zeros((MLP[i],), dtype=jnp.float32)
        inp[f"g{i}"] = jnp.ones((MLP[i],), dtype=jnp.float32)
        inp[f"beta{i}"] = jnp.zeros((MLP[i],), dtype=jnp.float32)
    inp["w_last"] = jax.random.normal(ks[6], (S, MLP[-1]), dtype=jnp.float32) / np.sqrt(MLP[-1])
    inp["b_last"] = jnp.zeros((S,), dtype=jnp.float32)
    return inp


def _conv_bn_relu(x, w, b, g, beta):
    # Conv1d with kernel_size=1 == per-position matmul. x: [B, Cin, M]
    x = jnp.einsum('oc,bcm->bom', w, x) + b[None, :, None]
    # BatchNorm1d in training mode: batch statistics over (batch, length)
    mean = jnp.mean(x, axis=(0, 2), keepdims=True)
    var = jnp.var(x, axis=(0, 2), keepdims=True)
    x = g[None, :, None] * (x - mean) / jnp.sqrt(var + EPS) + beta[None, :, None]
    return jax.nn.relu(x)


def _forward(coordinate, feature, w0, b0, g0, beta0, w1, b1, g1, beta1, w2, b2, g2, beta2, w_last, b_last):
    x = jnp.transpose(coordinate, (0, 2, 1))  # [B, 3, M]
    x = _conv_bn_relu(x, w0, b0, g0, beta0)
    x = _conv_bn_relu(x, w1, b1, g1, beta1)
    x = _conv_bn_relu(x, w2, b2, g2, beta2)
    x = jnp.einsum('oc,bcm->bom', w_last, x) + b_last[None, :, None]  # [B, S, M]
    Q = jax.nn.sigmoid(x)
    _, grouped_indices = jax.lax.top_k(Q, TOPK)  # [B, S, TOPK]
    bidx = jnp.arange(B)[:, None, None]
    gp = coordinate[bidx, grouped_indices, :]  # [B, S, TOPK, 3]
    gf = feature[bidx, grouped_indices, :]     # [B, S, TOPK, C]
    grouped_points_msg = tuple(gp[:, :, :n, :] for n in MSG_N)
    grouped_feature_msg = tuple(gf[:, :, :n, :] for n in MSG_N)
    sampled_points = grouped_points_msg[0][:, :, 0, :]
    sampled_feature = grouped_feature_msg[-1][:, :, 0, :]
    return (sampled_points,) + grouped_points_msg + (sampled_feature,) + grouped_feature_msg


def reference(coordinate, feature, w0, b0, g0, beta0, w1, b1, g1, beta1, w2, b2, g2, beta2, w_last, b_last):
    return _forward(coordinate, feature, w0, b0, g0, beta0, w1, b1, g1, beta1, w2, b2, g2, beta2, w_last, b_last)

if __name__ == "__main__":
    import jax
    _d = setup_inputs()
    print(jax.jit(kernel)(*tuple(_d.values())))

</pallas_src>

<mosaic_0001>
#map = affine_map<(d0, d1) -> (0)>
#map1 = affine_map<(d0, d1) -> (0, 0)>
module attributes {stable_mosaic.version = 14 : i64} {
  func.func @k(%arg0: i32, %arg1: i32, %arg2: memref<524288xi32, #tpu.memory_space<hbm>>, %arg3: memref<131072x128xf32, #tpu.memory_space<hbm>>, %arg4: memref<524288x128xf32, #tpu.memory_space<hbm>>, %arg5: memref<2048xi32, #tpu.memory_space<vmem>>, %arg6: memref<128x128xf32, #tpu.memory_space<vmem>>, %arg7: memref<!tpu.dma_semaphore, #tpu.memory_space<semaphore_mem>>) attributes {dimension_semantics = [#tpu.dimension_semantics<core_parallel>, #tpu.dimension_semantics<subcore_parallel>], iteration_bounds = array<i64: 2, 16>, scalar_prefetch = 0 : i64, scratch_operands = 3 : i64, tpu.core_type = #tpu.core_type<sc_vector_subcore>, window_params = [{transform_indices = #map}, {transform_indices = #map1}, {transform_indices = #map1}]} {
    %mul3A = arith.constant 2 : i32
    %mul3A_0 = arith.muli %arg1, %mul3A : i32
    %add3A = arith.addi %mul3A_0, %arg0 : i32
    %mul3A_1 = arith.constant 16384 : i32
    %mul3A_2 = arith.muli %add3A, %mul3A_1 : i32
    %scan3A = arith.constant 0 : i32
    %scan3A_3 = arith.constant 0 : i32
    %scan3A_4 = arith.constant 8 : i32
    %scan3A_5 = arith.addi %scan3A_3, %scan3A_4 : i32
    %scan3A_6 = arith.constant 1 : i32
    scf.for %scan3A_8 = %scan3A_3 to %scan3A_5 step %scan3A_6  : i32 {
      %mul3A_9 = arith.constant 2048 : i32
      %mul3A_10 = arith.muli %scan3A_8, %mul3A_9 : i32
      %add3A_11 = arith.addi %mul3A_2, %mul3A_10 : i32
      "tpu.region"() ({
        %run_scoped3A = tpu.sem_alloc : memref<!tpu.dma_semaphore, #tpu.memory_space<semaphore_mem>>
        %dma_start3A = tpu.memref_slice %arg2[%add3A_11] : memref<524288xi32, #tpu.memory_space<hbm>> -> memref<2048xi32, #tpu.memory_space<hbm>>
        %dma_start3A_17 = tpu.memref_slice %arg2[%add3A_11] : memref<524288xi32, #tpu.memory_space<hbm>> -> memref<2048xi32, #tpu.memory_space<hbm>>
        tpu.enqueue_dma source(%dma_start3A_17 : memref<2048xi32, #tpu.memory_space<hbm>>) target(%arg5 : memref<2048xi32, #tpu.memory_space<vmem>>) target_semaphore(%run_scoped3A : memref<!tpu.dma_semaphore, #tpu.memory_space<semaphore_mem>>)
        %dma_wait3A = tpu.memref_slice %arg2[%add3A_11] : memref<524288xi32, #tpu.memory_space<hbm>> -> memref<2048xi32, #tpu.memory_space<hbm>>
        %dma_wait3A_18 = tpu.memref_slice %arg2[%add3A_11] : memref<524288xi32, #tpu.memory_space<hbm>> -> memref<2048xi32, #tpu.memory_space<hbm>>
        tpu.wait_dma2 semaphore(%run_scoped3A : memref<!tpu.dma_semaphore, #tpu.memory_space<semaphore_mem>>) src(%dma_wait3A_18 : memref<2048xi32, #tpu.memory_space<hbm>>) dst(%arg5 : memref<2048xi32, #tpu.memory_space<vmem>>)
        tpu.yield
      }) : () -> ()
      %scan3A_12 = arith.constant 0 : i32
      %scan3A_13 = arith.constant 16 : i32
      %scan3A_14 = arith.addi %scan3A_12, %scan3A_13 : i32
      %scan3A_15 = arith.constant 1 : i32
      scf.for %scan3A_17 = %scan3A_12 to %scan3A_14 step %scan3A_15  : i32 {
        %mul3A_18 = arith.constant 128 : i32
        %mul3A_19 = arith.muli %scan3A_17, %mul3A_18 : i32
        %dma_start3A = tpu.memref_slice %arg5[%mul3A_19] : memref<2048xi32, #tpu.memory_space<vmem>> -> memref<128xi32, #tpu.memory_space<vmem>>
        %dma_start3A_20 = arith.constant 0 : i32
        %dma_start3A_21 = arith.constant 0 : i32
        %dma_start3A_22 = tpu.memref_slice %arg3[%dma_start3A_20, %dma_start3A_21] : memref<131072x128xf32, #tpu.memory_space<hbm>> -> memref<131072x128xf32, #tpu.memory_space<hbm>>
        tpu.enqueue_indirect_dma source(%dma_start3A_22 : memref<131072x128xf32, #tpu.memory_space<hbm>>) target(%arg6 : memref<128x128xf32, #tpu.memory_space<vmem>>) offsets(%dma_start3A : memref<128xi32, #tpu.memory_space<vmem>>) semaphore(%arg7 : memref<!tpu.dma_semaphore, #tpu.memory_space<semaphore_mem>>)
        %dma_wait3A = tpu.memref_slice %arg5[%mul3A_19] : memref<2048xi32, #tpu.memory_space<vmem>> -> memref<128xi32, #tpu.memory_space<vmem>>
        %dma_wait3A_23 = arith.constant 0 : i32
        %dma_wait3A_24 = arith.constant 0 : i32
        %dma_wait3A_25 = tpu.memref_slice %arg3[%dma_wait3A_23, %dma_wait3A_24] : memref<131072x128xf32, #tpu.memory_space<hbm>> -> memref<131072x128xf32, #tpu.memory_space<hbm>>
        tpu.wait_indirect_dma semaphore(%arg7 : memref<!tpu.dma_semaphore, #tpu.memory_space<semaphore_mem>>) src(%dma_wait3A_25 : memref<131072x128xf32, #tpu.memory_space<hbm>>) dst(%arg6 : memref<128x128xf32, #tpu.memory_space<vmem>>)
        %mul3A_26 = arith.constant 128 : i32
        %mul3A_27 = arith.muli %scan3A_17, %mul3A_26 : i32
        %add3A_28 = arith.addi %add3A_11, %mul3A_27 : i32
        "tpu.region"() ({
          %run_scoped3A = tpu.sem_alloc : memref<!tpu.dma_semaphore, #tpu.memory_space<semaphore_mem>>
          %dma_start3A_29 = arith.constant 0 : i32
          %dma_start3A_30 = tpu.memref_slice %arg4[%add3A_28, %dma_start3A_29] : memref<524288x128xf32, #tpu.memory_space<hbm>> -> memref<128x128xf32, #tpu.memory_space<hbm>>
          %dma_start3A_31 = arith.constant 0 : i32
          %dma_start3A_32 = tpu.memref_slice %arg4[%add3A_28, %dma_start3A_31] : memref<524288x128xf32, #tpu.memory_space<hbm>> -> memref<128x128xf32, #tpu.memory_space<hbm>>
          tpu.enqueue_dma source(%arg6 : memref<128x128xf32, #tpu.memory_space<vmem>>) target(%dma_start3A_32 : memref<128x128xf32, #tpu.memory_space<hbm>>) target_semaphore(%run_scoped3A : memref<!tpu.dma_semaphore, #tpu.memory_space<semaphore_mem>>)
          %dma_wait3A_33 = arith.constant 0 : i32
          %dma_wait3A_34 = tpu.memref_slice %arg4[%add3A_28, %dma_wait3A_33] : memref<524288x128xf32, #tpu.memory_space<hbm>> -> memref<128x128xf32, #tpu.memory_space<hbm>>
          %dma_wait3A_35 = arith.constant 0 : i32
          %dma_wait3A_36 = tpu.memref_slice %arg4[%add3A_28, %dma_wait3A_35] : memref<524288x128xf32, #tpu.memory_space<hbm>> -> memref<128x128xf32, #tpu.memory_space<hbm>>
          tpu.wait_dma2 semaphore(%run_scoped3A : memref<!tpu.dma_semaphore, #tpu.memory_space<semaphore_mem>>) src(%arg6 : memref<128x128xf32, #tpu.memory_space<vmem>>) dst(%dma_wait3A_36 : memref<128x128xf32, #tpu.memory_space<hbm>>)
          tpu.yield
        }) : () -> ()
      }
      %scan3A_16 = arith.constant 16 : i32
    }
    %scan3A_7 = arith.constant 8 : i32
    return
  }
}

module attributes {stable_mosaic.version = 14 : i64} {
  func.func @body(%arg0: i32, %arg1: i32, %arg2: memref<1x64x512xf32, #tpu.memory_space<vmem>>, %arg3: memref<1024x64xf32, #tpu.memory_space<vmem>>, %arg4: memref<1024x1xf32, #tpu.memory_space<vmem>>, %arg5: memref<1x1024x512xf32, #tpu.memory_space<vmem>>) attributes {dimension_semantics = [#tpu.dimension_semantics<arbitrary>, #tpu.dimension_semantics<arbitrary>], iteration_bounds = array<i64: 8, 32>, scalar_prefetch = 0 : i64, scratch_operands = 0 : i64, tpu.core_type = #tpu.core_type<tc>, window_params = [{transform_indices = @transform_0, window_bounds = array<i64: 1, 64, 512>}, {pipeline_mode = #tpu.pipeline_mode<synchronous>, transform_indices = @transform_1, window_bounds = array<i64: 1024, 64>}, {pipeline_mode = #tpu.pipeline_mode<synchronous>, transform_indices = @transform_2, window_bounds = array<i64: 1024, 1>}, {transform_indices = @transform_3, window_bounds = array<i64: 1, 1024, 512>}]} {
    %get3A = arith.constant 0 : index
    %get3A_0 = arith.constant 0 : index
    %get3A_1 = vector.load %arg3[%get3A, %get3A_0] : memref<1024x64xf32, #tpu.memory_space<vmem>>, vector<1024x64xf32>
    %get3A_2 = arith.constant 0 : index
    %get3A_3 = arith.constant 0 : index
    %get3A_4 = arith.constant 0 : index
    %get3A_5 = vector.load %arg2[%get3A_2, %get3A_3, %get3A_4] : memref<1x64x512xf32, #tpu.memory_space<vmem>>, vector<1x64x512xf32>
    %get3A_6 = vector.shape_cast %get3A_5 : vector<1x64x512xf32> to vector<64x512xf32>
    %dot_general3A = arith.constant dense<0.000000e+00> : vector<1024x512xf32>
    %dot_general3A_7 = tpu.matmul %get3A_1, %get3A_6, %dot_general3A {dimension_numbers = #tpu.dot_dimension_numbers<[1], [0], [0], [1], [0, 0, 1, 1], [], []>, transpose_lhs_hint = false} : vector<1024x64xf32>, vector<64x512xf32>, vector<1024x512xf32> -> vector<1024x512xf32>
    %get3A_8 = arith.constant 0 : index
    %get3A_9 = arith.constant 0 : index
    %get3A_10 = vector.load %arg4[%get3A_8, %get3A_9] : memref<1024x1xf32, #tpu.memory_space<vmem>>, vector<1024x1xf32>
    %add3A = vector.broadcast %get3A_10 : vector<1024x1xf32> to vector<1024x512xf32>
    %add3A_11 = arith.addf %dot_general3A_7, %add3A : vector<1024x512xf32>
    %swap3A = arith.constant 0 : index
    %swap3A_12 = arith.constant 0 : index
    %swap3A_13 = arith.constant 0 : index
    %swap3A_14 = vector.load %arg5[%swap3A, %swap3A_12, %swap3A_13] : memref<1x1024x512xf32, #tpu.memory_space<vmem>>, vector<1x1024x512xf32>
    %swap3A_15 = vector.shape_cast %swap3A_14 : vector<1x1024x512xf32> to vector<1024x512xf32>
    %swap3A_16 = vector.shape_cast %add3A_11 : vector<1024x512xf32> to vector<1x1024x512xf32>
    tpu.vector_store %arg5[%swap3A, %swap3A_12, %swap3A_13], %swap3A_16 {strides = array<i32>} : memref<1x1024x512xf32, #tpu.memory_space<vmem>>, vector<1x1024x512xf32>,
    return
  }
  func.func @transform_0(%arg0: i32, %arg1: i32) -> (i32, i32, i32) {
    %c0_i32 = arith.constant 0 : i32
    %c0_i32_0 = arith.constant 0 : i32
    return %arg0, %c0_i32, %arg1 : i32, i32, i32
  }
  func.func @transform_1(%arg0: i32, %arg1: i32) -> (i32, i32) {
    %c0_i32 = arith.constant 0 : i32
    %c0_i32_0 = arith.constant 0 : i32
    %c0_i32_1 = arith.constant 0 : i32
    return %c0_i32, %c0_i32_0 : i32, i32
  }
  func.func @transform_2(%arg0: i32, %arg1: i32) -> (i32, i32) {
    %c0_i32 = arith.constant 0 : i32
    %c0_i32_0 = arith.constant 0 : i32
    %c0_i32_1 = arith.constant 0 : i32
    return %c0_i32, %c0_i32_0 : i32, i32
  }
  func.func @transform_3(%arg0: i32, %arg1: i32) -> (i32, i32, i32) {
    %c0_i32 = arith.constant 0 : i32
    %c0_i32_0 = arith.constant 0 : i32
    return %arg0, %c0_i32, %arg1 : i32, i32, i32
  }
}

</mosaic_0001>

<sc_bundles>
// kernel: gather_offload_async_start.1
scs
__scs_entry_jumppad:
0x0: {  	(pc) =	sbr.rel $0x88, $3  }
0x1: {  	(tag) =	ssettag $0x0;
	lr =	simm.s32 $0x1  }
0x2: {  	[smem:$0x3F91] =	sst lr;
	_ =	strace $0xD0000000  }
0x3: {  	_ = 	snop  }
0x4: {  	_ = 	snop  }
0x5: {  	_ = 	snop  }
0x6: {  	_ = 	snop  }
0x7: {  	_ = 	snop  }
__scs_overlays_trampoline_lowered:
0x8: {  	[smem:$0x3FA0] =	sst s0  }
0x9: {  	[smem:$0x3FA1] =	sst s1  }
0xa: {  	[smem:$0x3FA2] =	sst s2  }
0xb: {  	[smem:$0x3FA3] =	sst s3  }
0xc: {  	[smem:$0x3FA4] =	sst s4  }
0xd: {  	[smem:$0x3FA5] =	sst s5  }
0xe: {  	[smem:$0x3FA6] =	sst s6  }
0xf: {  	[smem:$0x3FA7] =	sst s7  }
0x10: {  	[smem:$0x3FA8] =	sst s8  }
0x11: {  	[smem:$0x3FA9] =	sst s9;
	s0 =	simm.s32 @!p0 $0x0  }
0x12: {  	s1 =	sld [smem:$0x3F8F];
	s0 =	simm.s32 @p0 $0x1  }
0x13: {  	[smem:$0x3FAA] =	sst s0;
	s0 =	simm.s32 @!p1 $0x0  }
0x14: {  	s2 =	sld [smem:$0x3F8E];
	s0 =	simm.s32 @p1 $0x1  }
0x15: {  	[smem:$0x3FAB] =	sst s0;
	s0 =	simm.s32 @!p2 $0x0  }
0x16: {  	s3 =	sld [smem:$0x3FDB];
	s0 =	simm.s32 @p2 $0x1  }
0x17: {  	s4 =	simm.s32 $0x1BF5;
	[smem:$0x3FAD] =	sst s0  }
0x18: {  	s0 =	sld [smem:$0x3F90];
	_ =	swait.ge [sflag:s4], $0x0  }
0x19: {  	s7 =	sld [smem:$0x3F91]  }
0x1a: {  	s8 =	sadd.s32 $0xFFFFE003, lr  }
0x1b: {  	s9 =	sadd.s32 $0xFFFFFEF7, lr;
	s5 =	simm.s32 $0xFFFFFFFF;
	p2 =	slt.u32 s8, $0xFFFFF086  }
0x1c: {  	p1 =	slt.u32 s9, $0xF7A;
	s5 =	simm.s32 @!p2 $0x0  }
0x1d: {  	s5 =	simm.s32 @p1 $0x1;
	p0 =	seq.s32 s7, s2  }
0x1e: {  	s7 =	smul.u32 @!p0 $0xF7A, s2;
	p2 =	seq.s32 @!p0 s5, $0x0  }
0x1f: {  	s9 =	smul.u32 $0xF7A, s1;
	s8 =	simm.s32 @!p0 $0x1BF5;
	p2 =	por !p2, p0  }
0x20: {  	[sflag:s8] =	ssyncset.s32 @!p0 $0xFFFFF086;
	s6 =	sadd.s32 @!p0 s3, s7;
	s7 =	simm.s32 @!p0 $0x108  }
0x21: {  	s3 =	sadd.s32 s3, s9;
	s6 =	sadd.s32 @!p0 $0x88, s6;
	s7 =	simm.s32 @p2 $0x1082  }
0x22: {  	[simem:s7], [sflag:s8] =	dma.local @!p0 [hbm:s6], $0xF7A  }
0x23: {  	s9 =	sor.u32 $0xD0000000, s2;
	s6 =	simm.s32 $0x108;
	_ =	swait.ge @!p0 [sflag:s8], $0x0  }
0x24: {  	s3 =	sadd.s32 $0x88, s3;
	s6 =	simm.s32 @!p1 $0x1082;
	[sflag:s4] =	ssyncset.s32 $0xFFFFF086  }
0x25: {  	[simem:s6], [sflag:s4] =	dma.local [hbm:s3], $0xF7A  }
0x26: {  	[smem:$0x3F91] =	sst s1;
	(tag) =	ssettag s2;
	_ =	strace s9  }
0x27: {  	s1 =	sld [smem:$0x3FA1]  }
0x28: {  	s2 =	sld [smem:$0x3FA2]  }
0x29: {  	s4 =	sld [smem:$0x3FA4]  }
0x2a: {  	p0 =	seq.s32 s5, $0x0;
	s5 =	sld [smem:$0x3FA5]  }
0x2b: {  	s6 =	sld [smem:$0x3FA6]  }
0x2c: {  	s7 =	sld [smem:$0x3FA7]  }
0x2d: {  	s3 =	simm.s32 $0x108;
	s8 =	sld [smem:$0x3FA8]  }
0x2e: {  	s3 =	simm.s32 @!p0 $0x1082;
	s9 =	sld [smem:$0x3FA9]  }
0x2f: {  	lr =	sadd.s32 s0, s3;
	s0 =	sld [smem:$0x3FA0]  }
0x30: {  	s3 =	sld [smem:$0x3FA3]  }
0x31: {  	[smem:$0x3FAC] =	sst s10  }
0x32: {  	s10 =	sld [smem:$0x3FAA];
	_ =	sdelay $0x3  }
0x33: {  	p0 =	seq.s32 s10, $0x1;
	s10 =	sld [smem:$0x3FAC];
	_ =	sdelay $0x3  }
0x34: {  	[smem:$0x3FAC] =	sst s10  }
0x35: {  	s10 =	sld [smem:$0x3FAB];
	_ =	sdelay $0x3  }
0x36: {  	p1 =	seq.s32 s10, $0x1;
	s10 =	sld [smem:$0x3FAC];
	_ =	sdelay $0x3  }
0x37: {  	[smem:$0x3FAC] =	sst s10  }
0x38: {  	s10 =	sld [smem:$0x3FAD]  }
0x39: {  	_ = 	snop;
	(pc) =	sbr.ind lr, $3  }
0x3a: {  	_ = 	snop  }
0x3b: {  	_ = 	snop  }
0x3c: {  	p2 =	seq.s32 s10, $0x1;
	s10 =	sld [smem:$0x3FAC]  }
0x3d: {  	_ =	shalt  }
0x3e: {  	_ =	shalt  }
0x3f: {  	_ =	shalt  }
0x40: {  	_ =	shalt  }
0x41: {  	_ =	shalt  }
0x42: {  	_ =	shalt  }
0x43: {  	_ =	shalt  }
0x44: {  	_ =	shalt  }
0x45: {  	_ =	shalt  }
0x46: {  	_ =	shalt  }
0x47: {  	_ =	shalt  }
0x48: {  	_ =	shalt  }
0x49: {  	_ =	shalt  }
0x4a: {  	_ =	shalt  }
0x4b: {  	_ =	shalt  }
0x4c: {  	_ =	shalt  }
0x4d: {  	_ =	shalt  }
0x4e: {  	_ =	shalt  }
0x4f: {  	_ =	shalt  }
0x50: {  	_ =	shalt  }
0x51: {  	_ =	shalt  }
0x52: {  	_ =	shalt  }
0x53: {  	_ =	shalt  }
0x54: {  	_ =	shalt  }
0x55: {  	_ =	shalt  }
0x56: {  	_ =	shalt  }
0x57: {  	_ =	shalt  }
0x58: {  	_ =	shalt  }
0x59: {  	_ =	shalt  }
0x5a: {  	_ =	shalt  }
0x5b: {  	_ =	shalt  }
0x5c: {  	_ =	shalt  }
0x5d: {  	_ =	shalt  }
0x5e: {  	_ =	shalt  }
0x5f: {  	_ =	shalt  }
0x60: {  	_ =	shalt  }
0x61: {  	_ =	shalt  }
0x62: {  	_ =	shalt  }
0x63: {  	_ =	shalt  }
0x64: {  	_ =	shalt  }
0x65: {  	_ =	shalt  }
0x66: {  	_ =	shalt  }
0x67: {  	_ =	shalt  }
0x68: {  	_ =	shalt  }
0x69: {  	_ =	shalt  }
0x6a: {  	_ =	shalt  }
0x6b: {  	_ =	shalt  }
0x6c: {  	_ =	shalt  }
0x6d: {  	_ =	shalt  }
0x6e: {  	_ =	shalt  }
0x6f: {  	_ =	shalt  }
0x70: {  	_ =	shalt  }
0x71: {  	_ =	shalt  }
0x72: {  	_ =	shalt  }
0x73: {  	_ =	shalt  }
0x74: {  	_ =	shalt  }
0x75: {  	_ =	shalt  }
0x76: {  	_ =	shalt  }
0x77: {  	_ =	shalt  }
0x78: {  	_ =	shalt  }
0x79: {  	_ =	shalt  }
0x7a: {  	_ =	shalt  }
0x7b: {  	_ =	shalt  }
0x7c: {  	_ =	shalt  }
0x7d: {  	_ =	shalt  }
0x7e: {  	_ =	shalt  }
0x7f: {  	_ =	shalt  }
0x80: {  	_ =	shalt  }
0x81: {  	_ =	shalt  }
0x82: {  	_ =	shalt  }
0x83: {  	_ =	shalt  }
0x84: {  	_ =	shalt  }
0x85: {  	_ =	shalt  }
0x86: {  	_ =	shalt  }
0x87: {  	_ =	shalt  }
.Lfunc_end0:
.L_simem_size_0:
called_computation.5_lowered:
.L_overlay_start_0:
0x88: {  	s2 =	sld [smem:$0x3FD9]  }
0x89: {  	s3 =	sld [smem:$0x3FFE];
	_ =	sdelay $0x1  }
0x8a: {  	s1 =	srdreg.scid  }
0x8b: {  	s0 =	sand.u32 $0x1, s1  }
0x8c: {  	s15 =	sshll.u32 s0, $0xA;
	s2 =	sadd.s32 s3, s2  }
0x8d: {  	s2 =	sadd.s32 s2, s15  }
0x8e: {  	[smem:$0x3FB8] =	sst s2  }
0x8f: {  	_ = 	snop  }
0x90: {  	s2 =	sld [smem:$0x3FD0];
	_ =	sdelay $0x2  }
0x91: {  	s16 =	simm.s32 $0xB;
	s4 =	simm.s32 $0x10  }
0x92: {  	[smem:s4], [sflag:s16] =	dma.local [hbm:s2], $0x1  }
0x93: {  	_ =	swait.eq [sflag:s16], $0x1  }
0x94: {  	s17 =	sld [smem:$0x11];
	[sflag:s16] =	ssyncset.done $0x0  }
0x95: {  	s18 =	sld [smem:$0x12];
	[sflag:s16] =	ssyncadd.s32 $0xFFFFFFFF  }
0x96: {  	s19 =	sld [smem:$0x13];
	(tm) =	ssettm $0x1  }
0x97: {  	s5 =	sld [smem:$0x3FFB];
	_ =	sdelay $0x3  }
0x98: {  	_ =	strace s5  }
0x99: {  	s5 =	sld [smem:$0x3FFC];
	_ =	sdelay $0x3  }
0x9a: {  	_ =	strace s5  }
0x9b: {  	s5 =	sld [smem:$0x3FFD];
	_ =	sdelay $0x3  }
0x9c: {  	_ =	strace s5  }
0x9d: {  	_ =	strace $0x8FFFFFFF  }
0x9e: {  	s20 =	sld [smem:$0x3FDB];
	_ =	sdelay $0x1  }
0x9f: {  	s6 =	simm.s32 $_scs_section_size  }
0xa0: {  	s7 =	simm.s32 $_size__tile_overlayer_lowered;
	s8 =	simm.s32 $_tile_overlayer_lowered  }
0xa1: {  	s23 =	simm.s32 $0x1BFF;
	s22 =	sshll.u32 s8, $0x1;
	s5 =	sadd.s32 s6, s20  }
0xa2: {  	s9 =	simm.s32 $0x0;
	s21 =	sshll.u32 s7, $0x1;
	s7 =	sadd.s32 s22, s5  }
0xa3: {  	[timem:s9], [sflag:s23] =	dma.local [hbm:s7], s21  }
0xa4: {  	_ =	swait.ge [sflag:s23], s21  }
0xa5: {  	s6 =	ssub.s32 $0x0, s21;
	[sflag:s23] =	ssyncset.done $0x0  }
0xa6: {  	[sflag:s23] =	ssyncadd.s32 s6;
	_ =	sdelay $0x1  }
0xa7: {  	s24 =	simm.s32 $0x1B8B  }
0xa8: {  	_ =	swait.ge [sflag:s24], $0x1  }
0xa9: {  	[sflag:s24] =	ssyncset.done $0x0  }
0xaa: {  	s25 =	simm.s32 $0x1B8E;
	[sflag:s24] =	ssyncadd.s32 $0xFFFFFFFF  }
0xab: {  	s26 =	simm.s32 $execute0_lowered;
	[smem:$0x3FD2] =	sst s25  }
0xac: {  	s6 =	sshll.u32 s26, $0x1;
	_ =	strace $0x8000004F;
	[dreg:$0x1] =	wrdreg $0xFFFFFFFF  }
0xad: {  	s28 =	simm.s32 $_size_execute0_lowered;
	s5 =	sadd.s32 s5, s6;
	[dreg:$0x0] =	wrdreg $0x0  }
0xae: {  	s6 =	sshll.u32 s28, $0x1;
	[dreg:$0x2] =	wrdreg s5  }
0xaf: {  	[dreg:$0x3] =	wrdreg s6  }
0xb0: {  	[dreg:$0x4] =	wrdreg $0xC0  }
0xb1: {  	_ =	task [dreg:s9], $0x5FFFF  }
0xb2: {  	[dreg:$0x1] =	wrdreg $0xFFFFFFFF  }
0xb3: {  	[dreg:$0x0] =	wrdreg $0x60  }
0xb4: {  	[dreg:$0x2] =	wrdreg s17  }
0xb5: {  	[dreg:$0x3] =	wrdreg s19  }
0xb6: {  	[dreg:$0x4] =	wrdreg s18  }
0xb7: {  	[dreg:$0x5] =	wrdreg $0x9  }
0xb8: {  	_ =	task.clear_ibuf [dreg:s9], $0x6FFFF;
	_ =	strace $0x9000004F  }
0xb9: {  	s29 =	simm.s32 $0x9;
	_ =	strace $0x80000051  }
0xba: {  	_ =	swait.ge [sflag:s29], $0x1  }
0xbb: {  	[sflag:s29] =	ssyncadd.s32 $0xFFFFFFFF  }
0xbc: {  	_ =	strace $0x90000051  }
0xbd: {  	_ =	sfence  }
0xbe: {  	s30 =	sld [smem:$0x0];
	_ =	sdelay $0x2  }
0xbf: {  	s31 =	sshll.u32 s1, $0xD;
	s1 =	sshrl.u32 s1, $0x2  }
0xc0: {  	s3 =	sand.u32 $0x4000, s31;
	s1 =	sadd.s32 s1, s30  }
0xc1: {  	s0 =	sor.u32 s3, s0;
	s1 =	sshll.u32 s1, $0x11  }
0xc2: {  	s0 =	sor.u32 s1, s0  }
0xc3: {  	s0 =	sadd.s32 $0x8F2B, s0  }
0xc4: {  	[sflag:s0] =	ssyncadd.remote.s32 $0x1  }
0xc5: {  	_ =	sfence.sel $0xFFFF  }
0xc6: {  	[dreg:$0x0] =	wrdreg $0xFFFFFFFF;
	(pc) =	sbr.abs _section_cstart, $3  }
0xc7: {  	[dreg:$0x1] =	wrdreg $0xFFFFFFFF  }
0xc8: {  	_ =	task.clear_ibuf [dreg:s9], $0x2FFFF;
	_ =	strace $0x9FFFFFFF  }
0xc9: {  	(tm) =	ssettm $0x7FFFFFFF  }
tec
execute0_lowered:
.L_overlay_start_1:
0x0: {  	(tag) =	ssettag $0x1  }
0x1: {  	s1 =	srdreg.scid;
	s2 =	rddreg [dreg:$0x0]  }
0x2: {  	s0 =	stileid.u32;
	s3 =	rddreg [dreg:$0x1]  }
0x3: {  	s4 =	rddreg [dreg:$0x2];
	s6 =	simm.s32 $0x1;
	s1 =	sshll.u32 s1, $0xD  }
0x4: {  	s9 =	simm.s32 $0x1;
	s5 =	sshll.u32 s0, $0xE;
	s1 =	sand.u32 $0x2000, s1  }
0x5: {  	s10 =	simm.s32 $0x3;
	s13 =	simm.s32 $0x0;
	s5 =	sor.u32 s5, s1  }
0x6: {  	s12 =	simm.s32 $0x0;
	s1 =	rddreg [dreg:$0x3];
	s8 =	ssub.s32 $0x80000, s5  }
.Ltmp0:
0x7: {  	_ =	strace $0x80000050;
	s7 =	sand.u32 $0x3E000, s8;
	(pc) =	sbr.rel .LBB2_1-.Ltmp0, $4  }
0x8: {  	[sflag:s6] =	ssyncpa.u1 $0x0;
	s11 =	smov.u32 s5;
	p0 =	sne.s32 s7, $0x0  }
0x9: {  	s8 =	sshrl.u32 s8, $0x12;
	s7 =	simm.s32 $0x2;
	s9 =	simm.s32 @!p0 $0x0  }
0xa: {  	[sflag:s7] =	ssyncpa.u1 $0x0;
	p0 =	por $0x0, $0x0;
	s8 =	sadd.s32 s9, s8  }
0xb: {  	vm0 =	vmmov $0xffff;
	[sflag:s10] =	ssyncpa.u1 $0x0;
	s10 =	simm.s32 $0x0;
	s9 =	sadd.s32 $0x1, s8  }
.LBB2_4:
0xc: {  	v5 =	vand.u32 $0x7F, v4;
	v3 =	vsel vm1, $0xFFFEC000, v3;
	v6 =	vshll.u32 v2, $0xA  }
0xd: {  	vm1 =	vmmov vm2;
	v57 =	vshll.u32 v4, $0x3;
	v58 =	vshll.u32 v2, $0x7  }
0xe: {  	v59 =	vand.u32 $0x7, v1;
	v60 =	vshrl.u32 v1, $0x3;
	v61 =	vshrl.u32 v1, $0xD  }
0xf: {  	v6 =	vand.u32 $0xFFFFE000, v6;
	v3 =	vor.u32 v3, v5;
	v4 =	vand.u32 $0xFFFFFC00, v57  }
0x10: {  	v2 =	vand.u32 $0x380, v58;
	v5 =	vmul.u32 $0x14000, v59;
	v3 =	vadd.s32 v6, v3  }
0x11: {  	v1 =	vand.u32 $0x7F, v61;
	v3 =	vadd.s32 v4, v3;
	v4 =	vand.u32 $0x3FF, v60  }
0x12: {  	v1 =	vsel vm1, $0xFFFFFFFF, v1;
	v5 =	vsel vm1, $0xFFFEC000, v5;
	v62 =	vsel vm1, $0xFFFFFFFF, v4  }
0x13: {  	v63 =	vshll.u32 v1, $0xA;
	v2 =	vor.u32 v2, v3;
	v4 =	vand.u32 $0x7F, v62  }
0x14: {  	v6 =	vand.u32 $0xFFFFE000, v63;
	v3 =	vshll.u32 v62, $0x3;
	v4 =	vor.u32 v5, v4  }
0x15: {  	v1 =	vshll.u32 v1, $0x7;
	v3 =	vand.u32 $0xFFFFFC00, v3;
	v4 =	vadd.s32 v6, v4  }
0x16: {  	v1 =	vand.u32 $0x380, v1;
	v3 =	vadd.s32 v3, v4  }
0x17: {  	(ifvalue) =	ssetifvalue $0x7FFFFFFF;
	s15 =	sadd.s32 $0x10, s15;
	v1 =	vor.u32 v1, v3  }
0x18: {  	[tilespmem:s15], [sflag:$0x1] =	stream.indirect_vreg.gather [hbm4b:s2+s10], $0x1, v0, vm0, $0x4038;
	[tilespmem:$0x8000] =	vst v63  }
0x19: {  	(ifvalue) =	ssetifvalue $0x7FFFFFFF;
	s15 =	sadd.s32 $0x10, s15  }
0x1a: {  	[tilespmem:s15], [sflag:$0x1] =	stream.indirect_vreg.gather [hbm4b:s2+s10], $0x1, v2, vm0, $0x4038;
	[tilespmem:$0x8000] =	vst v63  }
0x1b: {  	(ifvalue) =	ssetifvalue $0x7FFFFFFF;
	s15 =	sadd.s32 $0x10, s15  }
0x1c: {  	[tilespmem:s15], [sflag:$0x1] =	stream.indirect_vreg.gather [hbm4b:s2+s10], $0x1, v1, vm0, $0x4038;
	[tilespmem:$0x8000] =	vst v63  }
0x1d: {  	_ =	swait.ge [sflag:s6], $0x2000  }
0x1e: {  	s30 =	sshrl.u32 s13, $0x3;
	[sflag:s6] =	ssyncset.done $0x0  }
0x1f: {  	s31 =	sand.u32 $0x7, s13;
	s15 =	sadd.s32 s4, s30;
	[sflag:s6] =	ssyncadd.s32 $0xFFFFE000  }
0x20: {  	[hbm4b:s15+s31] =	stream.linear.scatter [tilespmem:s14], [sflag:$0x3], $0x2000, $0x38;
	[tilespmem:$0x8000] =	vst v63  }
.LBB2_5:
0x21: {  	s15 =	sadd.s32 $0x40000, s11  }
0x22: {  	p2 =	sgt.s32 s15, $0x7FFFF  }
0x23: {  	s15 =	smov.u32 @p2 s5;
	p2 =	sne.s32 s12, s9  }
.Ltmp1:
0x24: {  	p1 =	slt.u32 s12, $0x2;
	(pc) =	sbr.rel @!p2 .LBB2_6-.Ltmp1, $4  }
0x25: {  	s14 =	simm.s32 @!p1 $0x3  }
0x26: {  	s16 =	sadd.s32 $0x1, s12;
	_ =	swait.ge @!p1 [sflag:s14], $0x2000  }
0x27: {  	s13 =	smov.u32 s11;
	p0 =	por !p0, !p0;
	[sflag:s14] =	ssyncset.done @!p1 $0x0  }
0x28: {  	s12 =	smov.u32 s16;
	s11 =	smov.u32 s15;
	[sflag:s14] =	ssyncadd.s32 @!p1 $0xFFFFE000  }
.LBB2_1:
0x29: {  	p1 =	sge.u32 s12, s8  }
0x2a: {  	s14 =	sxor.u32 @!p1 $0xFFFFFFFF, s12  }
0x2b: {  	s31 =	sadd.s32 $0xFFFFFFFF, s12;
	s15 =	sshrl.u32 @!p1 s11, $0x3;
	s14 =	sshll.u32 @!p1 s14, $0xD  }
0x2c: {  	s16 =	sand.u32 @!p1 $0x7, s11;
	s15 =	sadd.s32 @!p1 s3, s15;
	s14 =	sand.u32 @!p1 $0x2000, s14  }
0x2d: {  	[tilespmem:s14], [sflag:$0x2] =	stream.linear.gather @!p1 [hbm4b:s15+s16], $0x2000, $0x38;
	[tilespmem:$0x8000] =	vst v63  }
0x2e: {  	p1 =	sge.u32 s31, s8  }
.Ltmp2:
0x2f: {  	_ = 	snop;
	(pc) =	sbr.rel @p1 .LBB2_5-.Ltmp2, $1  }
0x30: {  	_ =	sdelay $0x3  }
0x31: {  	s14 =	simm.s32 $0x1  }
0x32: {  	_ =	swait.ge [sflag:s7], $0x2000;
	s14 =	simm.s32 @!p0 $0x0  }
0x33: {  	[sflag:s7] =	ssyncset.done $0x0;
	s14 =	sshll.u32 s14, $0xD  }
0x34: {  	[sflag:s7] =	ssyncadd.s32 $0xFFFFE000;
	(ifvalue) =	ssetifvalue $0x7FFFFFFF;
	v0 =	vld.msk [tilespmem:s14+$0x0 ss:$0x1], $0xffff;
	_ =	sdelay $0x1  }
0x35: {  	s15 =	sadd.s32 $0x10, s14  }
0x36: {  	v1 =	vld.msk [tilespmem:s15+$0x0 ss:$0x1], $0xffff;
	_ =	sdelay $0x1  }
0x37: {  	vm1 =	veq.s32 v0, $0x80000000  }
0x38: {  	v2 =	vand.u32 $0x7, v0;
	v3 =	vshrl.u32 v0, $0x3;
	v0 =	vshrl.u32 v0, $0xD  }
0x39: {  	vm1 =	vmmov vm1;
	v3 =	vand.u32 $0x3FF, v3;
	v2 =	vmul.u32 $0x14000, v2  }
0x3a: {  	v0 =	vand.u32 $0x7F, v0;
	vm2 =	veq.s32 v1, $0x80000000;
	v3 =	vsel vm1, $0xFFFFFFFF, v3  }
0x3b: {  	v0 =	vsel vm1, $0xFFFFFFFF, v0;
	v4 =	vand.u32 $0x7F, v3;
	v2 =	vsel vm1, $0xFFFEC000, v2  }
0x3c: {  	s15 =	sadd.s32 $0x10, s15;
	v5 =	vshll.u32 v0, $0xA;
	vm1 =	vmmov vm2;
	v3 =	vshll.u32 v3, $0x3  }
0x3d: {  	v6 =	vld.msk [tilespmem:s15+$0x0 ss:$0x1], $0xffff;
	v0 =	vshll.u32 v0, $0x7;
	v5 =	vand.u32 $0xFFFFE000, v5;
	v2 =	vor.u32 v2, v4  }
0x3e: {  	v3 =	vand.u32 $0xFFFFFC00, v3;
	v4 =	vand.u32 $0x7, v1;
	v2 =	vadd.s32 v5, v2  }
0x3f: {  	v0 =	vand.u32 $0x380, v0;
	v2 =	vadd.s32 v3, v2;
	v3 =	vshrl.u32 v1, $0x3  }
0x40: {  	v1 =	vshrl.u32 v1, $0xD;
	v0 =	vor.u32 v0, v2;
	v2 =	vand.u32 $0x3FF, v3  }
0x41: {  	v1 =	vand.u32 $0x7F, v1;
	v3 =	vmul.u32 $0x14000, v4;
	v2 =	vsel vm1, $0xFFFFFFFF, v2  }
0x42: {  	vm2 =	veq.s32 v6, $0x80000000;
	v4 =	vsel vm1, $0xFFFFFFFF, v1;
	v5 =	vand.u32 $0x7F, v2  }
0x43: {  	s17 =	sadd.s32 $0x10, s15;
	v3 =	vsel vm1, $0xFFFEC000, v3;
	v7 =	vshll.u32 v4, $0xA;
	vm1 =	vmmov vm2  }
0x44: {  	v1 =	vld.msk [tilespmem:s17+$0x0 ss:$0x1], $0xffff;
	v2 =	vshll.u32 v2, $0x3;
	v7 =	vand.u32 $0xFFFFE000, v7;
	v3 =	vor.u32 v3, v5  }
0x45: {  	v4 =	vshll.u32 v4, $0x7;
	v2 =	vand.u32 $0xFFFFFC00, v2;
	v3 =	vadd.s32 v7, v3  }
0x46: {  	s31 =	sshll.u32 s12, $0xD;
	s15 =	sor.u32 $0x4000, s14;
	(ifvalue) =	ssetifvalue $0x7FFFFFFF;
	v5 =	vand.u32 $0x7, v6;
	v4 =	vand.u32 $0x380, v4;
	v2 =	vadd.s32 v2, v3  }
0x47: {  	[tilespmem:s15], [sflag:$0x1] =	stream.indirect_vreg.gather [hbm4b:s2+s10], $0x1, v0, vm0, $0x4038;
	v3 =	vshrl.u32 v6, $0x3;
	v6 =	vshrl.u32 v6, $0xD;
	v0 =	vor.u32 v4, v2;
	[tilespmem:$0x8000] =	vst v63  }
0x48: {  	s14 =	sand.u32 $0x2000, s31;
	v2 =	vand.u32 $0x3FF, v3;
	v6 =	vand.u32 $0x7F, v6;
	v3 =	vmul.u32 $0x14000, v5  }
0x49: {  	s16 =	simm.s32 $0x30;
	s14 =	sor.u32 $0x4000, s14;
	s17 =	sadd.s32 $0x10, s17;
	vm2 =	veq.s32 v1, $0x80000000;
	v4 =	vsel vm1, $0xFFFFFFFF, v2;
	v2 =	vsel vm1, $0xFFFFFFFF, v6  }
.LBB2_3:
0x4a: {  	v6 =	vand.u32 $0x7F, v4  }
0x4b: {  	v5 =	vld.msk [tilespmem:s17+$0x0 ss:$0x1], $0xffff;
	v3 =	vsel vm1, $0xFFFEC000, v3;
	v7 =	vshll.u32 v2, $0xA;
	vm1 =	vmmov vm2;
	s16 =	sadd.s32 $0x10, s16  }
0x4c: {  	v4 =	vshll.u32 v4, $0x3;
	s15 =	sadd.s32 $0x10, s15;
	v7 =	vand.u32 $0xFFFFE000, v7;
	v3 =	vor.u32 v3, v6;
	(ifvalue) =	ssetifvalue $0x7FFFFFFF;
	p1 =	slt.u32 s16, $0x1FF0  }
0x4d: {  	[tilespmem:s15], [sflag:$0x1] =	stream.indirect_vreg.gather [hbm4b:s2+s10], $0x1, v0, vm0, $0x4038;
	[tilespmem:$0x8000] =	vst v63  }
.Ltmp3:
0x4e: {  	v2 =	vshll.u32 v2, $0x7;
	v4 =	vand.u32 $0xFFFFFC00, v4;
	v3 =	vadd.s32 v7, v3;
	(pc) =	sbr.rel @p1 .LBB2_3-.Ltmp3, $4  }
0x4f: {  	v6 =	vand.u32 $0x7, v1;
	v0 =	vand.u32 $0x380, v2;
	v2 =	vadd.s32 v4, v3  }
0x50: {  	v8 =	vshrl.u32 v1, $0xD;
	v3 =	vshrl.u32 v1, $0x3;
	v0 =	vor.u32 v0, v2  }
0x51: {  	v7 =	vand.u32 $0x7F, v8;
	v2 =	vand.u32 $0x3FF, v3;
	v3 =	vmul.u32 $0x14000, v6  }
0x52: {  	s17 =	sadd.s32 $0x10, s17;
	vm2 =	veq.s32 v5, $0x80000000;
	v4 =	vsel vm1, $0xFFFFFFFF, v2;
	v2 =	vsel vm1, $0xFFFFFFFF, v7;
	v1 =	vmovc v5  }
.Ltmp4:
0x53: {  	_ = 	snop;
	(pc) =	sbr.rel .LBB2_4-.Ltmp4, $1  }
0x54: {  	_ =	sdelay $0x3  }
.LBB2_6:
0x55: {  	_ =	sfence.sel $0x180000  }
0x56: {  	s2 =	simm.s32 $0x2;
	[bflag:$0x0] =	sbarrier.arrive $0xFFFF  }
0x57: {  	s30 =	simm.s32 $0x3;
	[sflag:s2] =	ssyncpa.u1 $0x1  }
0x58: {  	s31 =	simm.s32 $0x1;
	[sflag:s30] =	ssyncpa.u1 $0x1  }
0x59: {  	[sflag:s31] =	ssyncpa.u1 $0x1  }
0x5a: {  	p0 =	sne.s32 s0, $0x0;
	_ =	strace $0x90000050  }
0x5b: {  	s0 =	sadd.s32 @!p0 $0x100000, s1;
	[bflag:$0x2] =	sbarrier.arrive $0xFFFF  }
0x5c: {  	[sflag:s0] =	ssyncadd.tile.s32 @!p0 $0x1;
	_ =	shalt  }
.Lfunc_end2:
_tile_overlayer_lowered:
.L_overlay_start_2:
0x5d: {  	(tag) =	ssettag $0x2  }
0x5e: {  	s0 =	rddreg [dreg:$0x0];
	s2 =	stileid.u32  }
0x5f: {  	s1 =	rddreg [dreg:$0x1];
	p0 =	sne.s32 s2, $0x0  }
0x60: {  	s3 =	rddreg [dreg:$0x2];
	[bflag:$0x3] =	sbarrier.arrive $0xFFFF;
	s2 =	simm.s32 @!p0 $0x1C01  }
0x61: {  	[timem:s3], [sflag:s2] =	dma.local @!p0 [hbm:s0], s1  }
0x62: {  	s0 =	simm.s32 @!p0 $0x1  }
0x63: {  	_ =	swait.ge @!p0 [sflag:s0], s1  }
0x64: {  	s1 =	ssub.s32 @!p0 $0x0, s1;
	[sflag:s0] =	ssyncset.done @!p0 $0x0  }
0x65: {  	[sflag:s0] =	ssyncadd.s32 @!p0 s1  }
0x66: {  	[bflag:$0x3] =	sbarrier.arrive $0xFFFF  }
0x67: {  	_ =	shalt  }

// kernel: gather_offload_async_start
scs
__scs_entry_jumppad:
0x0: {  	(pc) =	sbr.rel $0x88, $3  }
0x1: {  	(tag) =	ssettag $0x0;
	lr =	simm.s32 $0x1  }
0x2: {  	[smem:$0x3F91] =	sst lr;
	_ =	strace $0xD0000000  }
0x3: {  	_ = 	snop  }
0x4: {  	_ = 	snop  }
0x5: {  	_ = 	snop  }
0x6: {  	_ = 	snop  }
0x7: {  	_ = 	snop  }
__scs_overlays_trampoline_lowered:
0x8: {  	[smem:$0x3FA0] =	sst s0  }
0x9: {  	[smem:$0x3FA1] =	sst s1  }
0xa: {  	[smem:$0x3FA2] =	sst s2  }
0xb: {  	[smem:$0x3FA3] =	sst s3  }
0xc: {  	[smem:$0x3FA4] =	sst s4  }
0xd: {  	[smem:$0x3FA5] =	sst s5  }
0xe: {  	[smem:$0x3FA6] =	sst s6  }
0xf: {  	[smem:$0x3FA7] =	sst s7  }
0x10: {  	[smem:$0x3FA8] =	sst s8  }
0x11: {  	[smem:$0x3FA9] =	sst s9;
	s0 =	simm.s32 @!p0 $0x0  }
0x12: {  	s1 =	sld [smem:$0x3F8F];
	s0 =	simm.s32 @p0 $0x1  }
0x13: {  	[smem:$0x3FAA] =	sst s0;
	s0 =	simm.s32 @!p1 $0x0  }
0x14: {  	s2 =	sld [smem:$0x3F8E];
	s0 =	simm.s32 @p1 $0x1  }
0x15: {  	[smem:$0x3FAB] =	sst s0;
	s0 =	simm.s32 @!p2 $0x0  }
0x16: {  	s3 =	sld [smem:$0x3FDB];
	s0 =	simm.s32 @p2 $0x1  }
0x17: {  	s4 =	simm.s32 $0x1BF5;
	[smem:$0x3FAD] =	sst s0  }
0x18: {  	s0 =	sld [smem:$0x3F90];
	_ =	swait.ge [sflag:s4], $0x0  }
0x19: {  	s7 =	sld [smem:$0x3F91]  }
0x1a: {  	s8 =	sadd.s32 $0xFFFFE003, lr  }
0x1b: {  	s9 =	sadd.s32 $0xFFFFFEF7, lr;
	s5 =	simm.s32 $0xFFFFFFFF;
	p2 =	slt.u32 s8, $0xFFFFF086  }
0x1c: {  	p1 =	slt.u32 s9, $0xF7A;
	s5 =	simm.s32 @!p2 $0x0  }
0x1d: {  	s5 =	simm.s32 @p1 $0x1;
	p0 =	seq.s32 s7, s2  }
0x1e: {  	s7 =	smul.u32 @!p0 $0xF7A, s2;
	p2 =	seq.s32 @!p0 s5, $0x0  }
0x1f: {  	s9 =	smul.u32 $0xF7A, s1;
	s8 =	simm.s32 @!p0 $0x1BF5;
	p2 =	por !p2, p0  }
0x20: {  	[sflag:s8] =	ssyncset.s32 @!p0 $0xFFFFF086;
	s6 =	sadd.s32 @!p0 s3, s7;
	s7 =	simm.s32 @!p0 $0x108  }
0x21: {  	s3 =	sadd.s32 s3, s9;
	s6 =	sadd.s32 @!p0 $0x88, s6;
	s7 =	simm.s32 @p2 $0x1082  }
0x22: {  	[simem:s7], [sflag:s8] =	dma.local @!p0 [hbm:s6], $0xF7A  }
0x23: {  	s9 =	sor.u32 $0xD0000000, s2;
	s6 =	simm.s32 $0x108;
	_ =	swait.ge @!p0 [sflag:s8], $0x0  }
0x24: {  	s3 =	sadd.s32 $0x88, s3;
	s6 =	simm.s32 @!p1 $0x1082;
	[sflag:s4] =	ssyncset.s32 $0xFFFFF086  }
0x25: {  	[simem:s6], [sflag:s4] =	dma.local [hbm:s3], $0xF7A  }
0x26: {  	[smem:$0x3F91] =	sst s1;
	(tag) =	ssettag s2;
	_ =	strace s9  }
0x27: {  	s1 =	sld [smem:$0x3FA1]  }
0x28: {  	s2 =	sld [smem:$0x3FA2]  }
0x29: {  	s4 =	sld [smem:$0x3FA4]  }
0x2a: {  	p0 =	seq.s32 s5, $0x0;
	s5 =	sld [smem:$0x3FA5]  }
0x2b: {  	s6 =	sld [smem:$0x3FA6]  }
0x2c: {  	s7 =	sld [smem:$0x3FA7]  }
0x2d: {  	s3 =	simm.s32 $0x108;
	s8 =	sld [smem:$0x3FA8]  }
0x2e: {  	s3 =	simm.s32 @!p0 $0x1082;
	s9 =	sld [smem:$0x3FA9]  }
0x2f: {  	lr =	sadd.s32 s0, s3;
	s0 =	sld [smem:$0x3FA0]  }
0x30: {  	s3 =	sld [smem:$0x3FA3]  }
0x31: {  	[smem:$0x3FAC] =	sst s10  }
0x32: {  	s10 =	sld [smem:$0x3FAA];
	_ =	sdelay $0x3  }
0x33: {  	p0 =	seq.s32 s10, $0x1;
	s10 =	sld [smem:$0x3FAC];
	_ =	sdelay $0x3  }
0x34: {  	[smem:$0x3FAC] =	sst s10  }
0x35: {  	s10 =	sld [smem:$0x3FAB];
	_ =	sdelay $0x3  }
0x36: {  	p1 =	seq.s32 s10, $0x1;
	s10 =	sld [smem:$0x3FAC];
	_ =	sdelay $0x3  }
0x37: {  	[smem:$0x3FAC] =	sst s10  }
0x38: {  	s10 =	sld [smem:$0x3FAD]  }
0x39: {  	_ = 	snop;
	(pc) =	sbr.ind lr, $3  }
0x3a: {  	_ = 	snop  }
0x3b: {  	_ = 	snop  }
0x3c: {  	p2 =	seq.s32 s10, $0x1;
	s10 =	sld [smem:$0x3FAC]  }
0x3d: {  	_ =	shalt  }
0x3e: {  	_ =	shalt  }
0x3f: {  	_ =	shalt  }
0x40: {  	_ =	shalt  }
0x41: {  	_ =	shalt  }
0x42: {  	_ =	shalt  }
0x43: {  	_ =	shalt  }
0x44: {  	_ =	shalt  }
0x45: {  	_ =	shalt  }
0x46: {  	_ =	shalt  }
0x47: {  	_ =	shalt  }
0x48: {  	_ =	shalt  }
0x49: {  	_ =	shalt  }
0x4a: {  	_ =	shalt  }
0x4b: {  	_ =	shalt  }
0x4c: {  	_ =	shalt  }
0x4d: {  	_ =	shalt  }
0x4e: {  	_ =	shalt  }
0x4f: {  	_ =	shalt  }
0x50: {  	_ =	shalt  }
0x51: {  	_ =	shalt  }
0x52: {  	_ =	shalt  }
0x53: {  	_ =	shalt  }
0x54: {  	_ =	shalt  }
0x55: {  	_ =	shalt  }
0x56: {  	_ =	shalt  }
0x57: {  	_ =	shalt  }
0x58: {  	_ =	shalt  }
0x59: {  	_ =	shalt  }
0x5a: {  	_ =	shalt  }
0x5b: {  	_ =	shalt  }
0x5c: {  	_ =	shalt  }
0x5d: {  	_ =	shalt  }
0x5e: {  	_ =	shalt  }
0x5f: {  	_ =	shalt  }
0x60: {  	_ =	shalt  }
0x61: {  	_ =	shalt  }
0x62: {  	_ =	shalt  }
0x63: {  	_ =	shalt  }
0x64: {  	_ =	shalt  }
0x65: {  	_ =	shalt  }
0x66: {  	_ =	shalt  }
0x67: {  	_ =	shalt  }
0x68: {  	_ =	shalt  }
0x69: {  	_ =	shalt  }
0x6a: {  	_ =	shalt  }
0x6b: {  	_ =	shalt  }
0x6c: {  	_ =	shalt  }
0x6d: {  	_ =	shalt  }
0x6e: {  	_ =	shalt  }
0x6f: {  	_ =	shalt  }
0x70: {  	_ =	shalt  }
0x71: {  	_ =	shalt  }
0x72: {  	_ =	shalt  }
0x73: {  	_ =	shalt  }
0x74: {  	_ =	shalt  }
0x75: {  	_ =	shalt  }
0x76: {  	_ =	shalt  }
0x77: {  	_ =	shalt  }
0x78: {  	_ =	shalt  }
0x79: {  	_ =	shalt  }
0x7a: {  	_ =	shalt  }
0x7b: {  	_ =	shalt  }
0x7c: {  	_ =	shalt  }
0x7d: {  	_ =	shalt  }
0x7e: {  	_ =	shalt  }
0x7f: {  	_ =	shalt  }
0x80: {  	_ =	shalt  }
0x81: {  	_ =	shalt  }
0x82: {  	_ =	shalt  }
0x83: {  	_ =	shalt  }
0x84: {  	_ =	shalt  }
0x85: {  	_ =	shalt  }
0x86: {  	_ =	shalt  }
0x87: {  	_ =	shalt  }
.Lfunc_end0:
.L_simem_size_0:
called_computation.4_lowered:
.L_overlay_start_0:
0x88: {  	s2 =	sld [smem:$0x3FD9]  }
0x89: {  	s3 =	sld [smem:$0x3FFE];
	_ =	sdelay $0x1  }
0x8a: {  	s1 =	srdreg.scid  }
0x8b: {  	s0 =	sand.u32 $0x1, s1  }
0x8c: {  	s14 =	sshll.u32 s0, $0xA;
	s2 =	sadd.s32 s3, s2  }
0x8d: {  	s2 =	sadd.s32 s2, s14  }
0x8e: {  	[smem:$0x3FB8] =	sst s2  }
0x8f: {  	_ = 	snop  }
0x90: {  	s2 =	sld [smem:$0x3FD0];
	_ =	sdelay $0x2  }
0x91: {  	s15 =	simm.s32 $0xB;
	s4 =	simm.s32 $0x10  }
0x92: {  	[smem:s4], [sflag:s15] =	dma.local [hbm:s2], $0x1  }
0x93: {  	_ =	swait.eq [sflag:s15], $0x1  }
0x94: {  	[sflag:s15] =	ssyncset.done $0x0  }
0x95: {  	[sflag:s15] =	ssyncadd.s32 $0xFFFFFFFF  }
0x96: {  	s16 =	sld [smem:$0x12];
	(tm) =	ssettm $0x1  }
0x97: {  	s17 =	sld [smem:$0x3FFB];
	_ =	sdelay $0x3  }
0x98: {  	_ =	strace s17  }
0x99: {  	s3 =	sld [smem:$0x3FFC];
	_ =	sdelay $0x3  }
0x9a: {  	_ =	strace s3  }
0x9b: {  	s3 =	sld [smem:$0x3FFD];
	_ =	sdelay $0x3  }
0x9c: {  	_ =	strace s3  }
0x9d: {  	_ =	strace $0x8FFFFFFF  }
0x9e: {  	s18 =	sld [smem:$0x3FDB];
	_ =	sdelay $0x1  }
0x9f: {  	s19 =	simm.s32 $_scs_section_size  }
0xa0: {  	s5 =	simm.s32 $_size__tile_overlayer_lowered;
	s6 =	simm.s32 $_tile_overlayer_lowered  }
0xa1: {  	s22 =	simm.s32 $0x1BFF;
	s21 =	sshll.u32 s6, $0x1;
	s3 =	sadd.s32 s19, s18  }
0xa2: {  	s7 =	simm.s32 $0x0;
	s20 =	sshll.u32 s5, $0x1;
	s5 =	sadd.s32 s21, s3  }
0xa3: {  	[timem:s7], [sflag:s22] =	dma.local [hbm:s5], s20  }
0xa4: {  	_ =	swait.ge [sflag:s22], s20  }
0xa5: {  	s4 =	ssub.s32 $0x0, s20;
	[sflag:s22] =	ssyncset.done $0x0  }
0xa6: {  	[sflag:s22] =	ssyncadd.s32 s4;
	_ =	sdelay $0x1  }
0xa7: {  	s23 =	simm.s32 $0x1B8B  }
0xa8: {  	_ =	swait.ge [sflag:s23], $0x1  }
0xa9: {  	[sflag:s23] =	ssyncset.done $0x0  }
0xaa: {  	s25 =	simm.s32 $0x1B8E;
	s24 =	sld [smem:$0x3FFE];
	[sflag:s23] =	ssyncadd.s32 $0xFFFFFFFF  }
0xab: {  	s26 =	simm.s32 $execute0_lowered;
	[smem:$0x3FD2] =	sst s25  }
0xac: {  	s5 =	sshll.u32 s26, $0x1;
	_ =	strace $0x80000049;
	[dreg:$0x1] =	wrdreg $0xFFFFFFFF  }
0xad: {  	s28 =	simm.s32 $_size_execute0_lowered;
	s3 =	sadd.s32 s3, s5;
	[dreg:$0x0] =	wrdreg $0x0  }
0xae: {  	s5 =	sshll.u32 s28, $0x1;
	[dreg:$0x2] =	wrdreg s3  }
0xaf: {  	[dreg:$0x3] =	wrdreg s5  }
0xb0: {  	[dreg:$0x4] =	wrdreg $0xC0  }
0xb1: {  	_ =	task [dreg:s7], $0x5FFFF  }
0xb2: {  	[dreg:$0x1] =	wrdreg $0xFFFFFFFF  }
0xb3: {  	[dreg:$0x0] =	wrdreg $0x60  }
0xb4: {  	[dreg:$0x2] =	wrdreg s24  }
0xb5: {  	[dreg:$0x3] =	wrdreg s16  }
0xb6: {  	[dreg:$0x4] =	wrdreg $0x9  }
0xb7: {  	_ =	task.clear_ibuf [dreg:s7], $0x5FFFF;
	_ =	strace $0x90000049  }
0xb8: {  	s29 =	simm.s32 $0x9;
	_ =	strace $0x8000004B  }
0xb9: {  	_ =	swait.ge [sflag:s29], $0x1  }
0xba: {  	[sflag:s29] =	ssyncadd.s32 $0xFFFFFFFF  }
0xbb: {  	_ =	strace $0x9000004B  }
0xbc: {  	_ =	sfence  }
0xbd: {  	s30 =	sld [smem:$0x0];
	_ =	sdelay $0x2  }
0xbe: {  	s31 =	sshll.u32 s1, $0xD;
	s1 =	sshrl.u32 s1, $0x2  }
0xbf: {  	s3 =	sand.u32 $0x4000, s31;
	s1 =	sadd.s32 s1, s30  }
0xc0: {  	s0 =	sor.u32 s3, s0;
	s1 =	sshll.u32 s1, $0x11  }
0xc1: {  	s0 =	sor.u32 s1, s0  }
0xc2: {  	s0 =	sadd.s32 $0x8F2B, s0  }
0xc3: {  	[sflag:s0] =	ssyncadd.remote.s32 $0x1  }
0xc4: {  	_ =	sfence.sel $0xFFFF  }
0xc5: {  	[dreg:$0x0] =	wrdreg $0xFFFFFFFF;
	(pc) =	sbr.abs _section_cstart, $3  }
0xc6: {  	[dreg:$0x1] =	wrdreg $0xFFFFFFFF  }
0xc7: {  	_ =	task.clear_ibuf [dreg:s7], $0x2FFFF;
	_ =	strace $0x9FFFFFFF  }
0xc8: {  	(tm) =	ssettm $0x7FFFFFFF  }
0xc9: {  	_ =	shalt  }
tec
execute0_lowered:
.L_overlay_start_1:
0x0: {  	(tag) =	ssettag $0x1  }
0x1: {  	s0 =	stileid.u32;
	s1 =	srdreg.scid  }
0x2: {  	s1 =	sand.u32 $0x1, s1;
	s2 =	sshll.u32 s0, $0x1  }
0x3: {  	s1 =	sor.u32 s2, s1  }
0x4: {  	s2 =	smul.u32 $0xA00, s1;
	_ =	sdelay $0x1  }
0x5: {  	s7 =	ssub.s32 $0xA0000, s2  }
0x6: {  	s3 =	rddreg [dreg:$0x0];
	s5 =	smulhi.u32 $0xCCCCD, s7  }
0x7: {  	s4 =	rddreg [dreg:$0x1];
	s6 =	simm.s32 $0x2;
	s10 =	simm.s32 $0x3  }
0x8: {  	s11 =	simm.s32 $0x0;
	s14 =	simm.s32 $0x0;
	s8 =	sshrl.u32 s5, $0x4  }
0x9: {  	s13 =	simm.s32 $0x0;
	s1 =	rddreg [dreg:$0x2];
	s9 =	smul.u32 $0x14000, s8  }
.Ltmp0:
0xa: {  	_ =	strace $0x8000004A;
	s5 =	simm.s32 $0x1;
	(pc) =	sbr.rel .LBB2_1-.Ltmp0, $4  }
0xb: {  	[sflag:s5] =	ssyncpa.u1 $0x0;
	p0 =	sne.s32 s7, s9;
	s9 =	simm.s32 $0x1  }
0xc: {  	s12 =	smov.u32 s2;
	[sflag:s6] =	ssyncpa.u1 $0x0;
	s9 =	simm.s32 @!p0 $0x0  }
0xd: {  	s7 =	sadd.s32 $0x1000000, s3;
	[sflag:s10] =	ssyncpa.u1 $0x0;
	s8 =	sadd.s32 s9, s8  }
0xe: {  	vm0 =	vmmov $0xffff;
	v0 =	vlaneseq.u32;
	p0 =	por $0x0, $0x0;
	s9 =	sadd.s32 $0x10A0000, s3;
	s10 =	sadd.s32 $0x1, s8  }
.LBB2_4:
0xf: {  	_ =	sdelay $0x2  }
0x10: {  	(ifvalue) =	ssetifvalue $0x7FFFFFFF  }
0x11: {  	[tilespmem:s23], [sflag:$0x1] =	stream.indirect_vreg.gather [hbm4b:s3+s11], $0x1, v1, vm0, $0x4038;
	[tilespmem:$0x15400] =	vst v63  }
0x12: {  	s17 =	sshll.u32 s14, $0x3  }
0x13: {  	s30 =	sand.u32 $0x78, s14;
	s17 =	sand.u32 $0xFFFFFC00, s17  }
0x14: {  	_ =	swait.ge [sflag:s5], $0xA000;
	s14 =	sor.u32 s30, s17  }
0x15: {  	[sflag:s5] =	ssyncset.done $0x0;
	s14 =	sshrl.u32 s14, $0x3  }
0x16: {  	[sflag:s5] =	ssyncadd.s32 $0xFFFF6000;
	s31 =	sadd.s32 s7, s14  }
0x17: {  	[hbm:s31] =	stream.linear.scatter [tilespmem:s16], [sflag:$0x3], $0x5000, $0x38;
	[tilespmem:$0x15400] =	vst v63  }
0x18: {  	s15 =	sadd.s32 $0x6400, s15;
	s14 =	sadd.s32 s14, s9  }
0x19: {  	[hbm:s14] =	stream.linear.scatter [tilespmem:s15], [sflag:$0x3], $0x5000, $0x38;
	[tilespmem:$0x15400] =	vst v63  }
.LBB2_5:
0x1a: {  	s16 =	sadd.s32 $0x14000, s12  }
0x1b: {  	p2 =	sgt.s32 s16, $0x9FFFF  }
0x1c: {  	s16 =	smov.u32 @p2 s2;
	p2 =	sne.s32 s13, s10  }
.Ltmp1:
0x1d: {  	p1 =	slt.u32 s13, $0x2;
	(pc) =	sbr.rel @!p2 .LBB2_6-.Ltmp1, $4  }
0x1e: {  	s15 =	simm.s32 @!p1 $0x3  }
0x1f: {  	s17 =	sadd.s32 $0x1, s13;
	_ =	swait.ge @!p1 [sflag:s15], $0xA000  }
0x20: {  	s14 =	smov.u32 s12;
	p0 =	por !p0, !p0;
	[sflag:s15] =	ssyncset.done @!p1 $0x0  }
0x21: {  	s13 =	smov.u32 s17;
	s12 =	smov.u32 s16;
	[sflag:s15] =	ssyncadd.s32 @!p1 $0xFFFF6000  }
.LBB2_1:
0x22: {  	p1 =	sge.u32 s13, s8  }
0x23: {  	s15 =	sxor.u32 @!p1 $0xFFFFFFFF, s13  }
0x24: {  	s15 =	sand.u32 @!p1 $0x1, s15  }
0x25: {  	s15 =	smul.u32 @!p1 $0x2800, s15  }
0x26: {  	s31 =	sadd.s32 $0xFFFFFFFF, s13;
	s16 =	sshrl.u32 @!p1 s12, $0x3  }
0x27: {  	s17 =	sand.u32 @!p1 $0x7, s12;
	s16 =	sadd.s32 @!p1 s4, s16;
	s15 =	sshrl.u32 @!p1 s15, $0x2  }
0x28: {  	[tilespmem:s15], [sflag:$0x2] =	stream.linear.gather @!p1 [hbm4b:s16+s17], $0xA00, $0x38;
	[tilespmem:$0x15400] =	vst v63  }
0x29: {  	p1 =	sge.u32 s31, s8  }
.Ltmp2:
0x2a: {  	_ = 	snop;
	(pc) =	sbr.rel @p1 .LBB2_5-.Ltmp2, $1  }
0x2b: {  	_ =	sdelay $0x3  }
0x2c: {  	s15 =	simm.s32 $0x1  }
0x2d: {  	s15 =	simm.s32 @!p0 $0x0  }
0x2e: {  	_ =	swait.ge [sflag:s6], $0xA00;
	s15 =	smul.u32 $0x2800, s15  }
0x2f: {  	[sflag:s6] =	ssyncset.done $0x0  }
0x30: {  	[sflag:s6] =	ssyncadd.s32 $0xFFFFF600;
	s19 =	sshrl.u32 s15, $0x2  }
0x31: {  	v1 =	vld.msk [tilespmem:s19+$0x0 ss:$0x1], $0xffff;
	_ =	sdelay $0x3  }
0x32: {  	s20 =	ssub.s32 $0xA0000, s14  }
0x33: {  	p1 =	slt.s32 s20, $0xA00;
	v2 =	vshrl.u32 v1, $0xD;
	v3 =	vshll.u32 v1, $0x18  }
0x34: {  	s20 =	simm.s32 @!p1 $0xA00;
	v4 =	vshll.u32 v1, $0xB;
	vm1 =	veq.s32 v1, $0x80000000;
	v1 =	vand.u32 $0x3FF, v2  }
0x35: {  	p1 =	sgt.s32 s20, $0x0;
	s15 =	smov.u32 s20;
	v2 =	vand.u32 $0x7000000, v3;
	v3 =	vand.u32 $0xFFC000, v4;
	v1 =	vsel vm1, $0xFFFFFFFF, v1  }
0x36: {  	s15 =	simm.s32 @!p1 $0x0;
	v2 =	vor.u32 v3, v2;
	v3 =	vshll.u32 v1, $0x3  }
0x37: {  	s15 =	smin.u32 s15, $0x10;
	v2 =	vsel vm1, $0xFEFFC000, v2;
	v3 =	vand.u32 $0xFFFFFC00, v3  }
0x38: {  	s16 =	sand.u32 $0x1, s13;
	v1 =	vand.u32 $0x7F, v1;
	v2 =	vadd.s32 v2, v3;
	v3 =	vmov s15  }
0x39: {  	s28 =	smul.u32 $0x28000, s16;
	v1 =	vor.u32 v1, v2;
	vm1 =	vgt.u32 v3, v0  }
0x3a: {  	v2 =	vnsel vm1, $0x7FFFFFFF, v1  }
0x3b: {  	s18 =	simm.s32 $0x0;
	s15 =	sshrl.u32 s28, $0x2  }
0x3c: {  	s17 =	simm.s32 $0x0;
	s18 =	sand.u32 $0x7C00, s18;
	s16 =	sor.u32 $0x1400, s15;
	v3 =	vor.u32 $0x80, v1  }
0x3d: {  	s21 =	sand.u32 $0x70, s17;
	(ifvalue) =	ssetifvalue $0x7FFFFFFF;
	s18 =	sadd.s32 s18, s16;
	v3 =	vnsel vm1, $0x7FFFFFFF, v3  }
0x3e: {  	(ifvalue) =	ssetifvalue $0x7FFFFFFF;
	s21 =	sadd.s32 s21, s18  }
0x3f: {  	v53 =	vor.u32 $0x100, v1;
	[tilespmem:s21], [sflag:$0x1] =	stream.indirect_vreg.gather [hbm4b:s3+s11], $0x1, v2, vm0, $0x4038;
	[tilespmem:$0x15400] =	vst v63  }
0x40: {  	(ifvalue) =	ssetifvalue $0x7FFFFFFF;
	v2 =	vnsel vm1, $0x7FFFFFFF, v53  }
0x41: {  	s18 =	sadd.s32 $0x80, s21;
	(ifvalue) =	ssetifvalue $0x7FFFFFFF  }
0x42: {  	v54 =	vor.u32 $0x180, v1;
	[tilespmem:s18], [sflag:$0x1] =	stream.indirect_vreg.gather [hbm4b:s3+s11], $0x1, v3, vm0, $0x4038;
	[tilespmem:$0x15400] =	vst v63  }
0x43: {  	v3 =	vnsel vm1, $0x7FFFFFFF, v54;
	(ifvalue) =	ssetifvalue $0x7FFFFFFF  }
0x44: {  	s29 =	sadd.s32 $0x100, s21;
	(ifvalue) =	ssetifvalue $0x7FFFFFFF  }
0x45: {  	v55 =	vor.u32 $0x200, v1;
	[tilespmem:s29], [sflag:$0x1] =	stream.indirect_vreg.gather [hbm4b:s3+s11], $0x1, v2, vm0, $0x4038;
	[tilespmem:$0x15400] =	vst v63  }
0x46: {  	v2 =	vnsel vm1, $0x7FFFFFFF, v55;
	(ifvalue) =	ssetifvalue $0x7FFFFFFF  }
0x47: {  	s30 =	sadd.s32 $0x180, s21;
	(ifvalue) =	ssetifvalue $0x7FFFFFFF  }
0x48: {  	v56 =	vor.u32 $0x280, v1;
	[tilespmem:s30], [sflag:$0x1] =	stream.indirect_vreg.gather [hbm4b:s3+s11], $0x1, v3, vm0, $0x4038;
	[tilespmem:$0x15400] =	vst v63  }
0x49: {  	v3 =	vnsel vm1, $0x7FFFFFFF, v56;
	(ifvalue) =	ssetifvalue $0x7FFFFFFF  }
0x4a: {  	s31 =	sadd.s32 $0x200, s21;
	(ifvalue) =	ssetifvalue $0x7FFFFFFF  }
0x4b: {  	v57 =	vor.u32 $0x300, v1;
	[tilespmem:s31], [sflag:$0x1] =	stream.indirect_vreg.gather [hbm4b:s3+s11], $0x1, v2, vm0, $0x4038;
	[tilespmem:$0x15400] =	vst v63  }
0x4c: {  	v2 =	vnsel vm1, $0x7FFFFFFF, v57;
	(ifvalue) =	ssetifvalue $0x7FFFFFFF  }
0x4d: {  	s23 =	sand.u32 $0x7, s17;
	s22 =	sadd.s32 $0x280, s21;
	(ifvalue) =	ssetifvalue $0x7FFFFFFF  }
0x4e: {  	[tilespmem:s22], [sflag:$0x1] =	stream.indirect_vreg.gather [hbm4b:s3+s11], $0x1, v3, vm0, $0x4038;
	v3 =	vor.u32 $0x380, v1;
	[tilespmem:$0x15400] =	vst v63  }
0x4f: {  	s18 =	sshll.u32 s23, $0x4;
	(ifvalue) =	ssetifvalue $0x7FFFFFFF;
	v3 =	vnsel vm1, $0x7FFFFFFF, v3  }
0x50: {  	s18 =	sadd.s32 $0x0, s18;
	s22 =	sadd.s32 $0x300, s21;
	(ifvalue) =	ssetifvalue $0x7FFFFFFF  }
0x51: {  	[tilespmem:s22], [sflag:$0x1] =	stream.indirect_vreg.gather [hbm4b:s3+s11], $0x1, v2, vm0, $0x4038;
	v2 =	vadd.s32 $0x2000, v1;
	[tilespmem:$0x15400] =	vst v63  }
0x52: {  	s18 =	sor.u32 $0x380, s18;
	(ifvalue) =	ssetifvalue $0x7FFFFFFF;
	v2 =	vnsel vm1, $0x7FFFFFFF, v2  }
0x53: {  	s18 =	sadd.s32 s18, s16;
	(ifvalue) =	ssetifvalue $0x7FFFFFFF  }
0x54: {  	v58 =	vadd.s32 $0x2080, v1;
	[tilespmem:s18], [sflag:$0x1] =	stream.indirect_vreg.gather [hbm4b:s3+s11], $0x1, v3, vm0, $0x4038;
	[tilespmem:$0x15400] =	vst v63  }
0x55: {  	v3 =	vnsel vm1, $0x7FFFFFFF, v58;
	(ifvalue) =	ssetifvalue $0x7FFFFFFF  }
0x56: {  	s24 =	sadd.s32 $0x5000, s21;
	(ifvalue) =	ssetifvalue $0x7FFFFFFF  }
0x57: {  	v59 =	vadd.s32 $0x2100, v1;
	[tilespmem:s24], [sflag:$0x1] =	stream.indirect_vreg.gather [hbm4b:s3+s11], $0x1, v2, vm0, $0x4038;
	[tilespmem:$0x15400] =	vst v63  }
0x58: {  	v2 =	vnsel vm1, $0x7FFFFFFF, v59;
	(ifvalue) =	ssetifvalue $0x7FFFFFFF  }
0x59: {  	s25 =	sadd.s32 $0x5080, s21;
	(ifvalue) =	ssetifvalue $0x7FFFFFFF  }
0x5a: {  	v60 =	vadd.s32 $0x2180, v1;
	[tilespmem:s25], [sflag:$0x1] =	stream.indirect_vreg.gather [hbm4b:s3+s11], $0x1, v3, vm0, $0x4038;
	[tilespmem:$0x15400] =	vst v63  }
0x5b: {  	v3 =	vnsel vm1, $0x7FFFFFFF, v60;
	(ifvalue) =	ssetifvalue $0x7FFFFFFF  }
0x5c: {  	s26 =	sadd.s32 $0x5100, s21;
	(ifvalue) =	ssetifvalue $0x7FFFFFFF  }
0x5d: {  	v61 =	vadd.s32 $0x2200, v1;
	[tilespmem:s26], [sflag:$0x1] =	stream.indirect_vreg.gather [hbm4b:s3+s11], $0x1, v2, vm0, $0x4038;
	[tilespmem:$0x15400] =	vst v63  }
0x5e: {  	v2 =	vnsel vm1, $0x7FFFFFFF, v61;
	(ifvalue) =	ssetifvalue $0x7FFFFFFF  }
0x5f: {  	s28 =	sadd.s32 $0x5180, s21;
	(ifvalue) =	ssetifvalue $0x7FFFFFFF  }
0x60: {  	v62 =	vadd.s32 $0x2280, v1;
	[tilespmem:s28], [sflag:$0x1] =	stream.indirect_vreg.gather [hbm4b:s3+s11], $0x1, v3, vm0, $0x4038;
	[tilespmem:$0x15400] =	vst v63  }
0x61: {  	v3 =	vnsel vm1, $0x7FFFFFFF, v62;
	(ifvalue) =	ssetifvalue $0x7FFFFFFF  }
0x62: {  	s29 =	sadd.s32 $0x5200, s21;
	(ifvalue) =	ssetifvalue $0x7FFFFFFF  }
0x63: {  	v63 =	vadd.s32 $0x2300, v1;
	[tilespmem:s29], [sflag:$0x1] =	stream.indirect_vreg.gather [hbm4b:s3+s11], $0x1, v2, vm0, $0x4038;
	[tilespmem:$0x15400] =	vst v63  }
0x64: {  	v2 =	vnsel vm1, $0x7FFFFFFF, v63;
	(ifvalue) =	ssetifvalue $0x7FFFFFFF  }
0x65: {  	s20 =	sadd.s32 $0xFFFFFFF0, s20;
	s30 =	sadd.s32 $0x5280, s21;
	(ifvalue) =	ssetifvalue $0x7FFFFFFF  }
0x66: {  	v1 =	vadd.s32 $0x2380, v1;
	[tilespmem:s30], [sflag:$0x1] =	stream.indirect_vreg.gather [hbm4b:s3+s11], $0x1, v3, vm0, $0x4038;
	[tilespmem:$0x15400] =	vst v63  }
0x67: {  	s19 =	sadd.s32 $0x10, s19;
	s23 =	sadd.s32 $0x5380, s21;
	v1 =	vnsel vm1, $0x7FFFFFFF, v1;
	(ifvalue) =	ssetifvalue $0x7FFFFFFF  }
0x68: {  	s31 =	sadd.s32 $0x5300, s21;
	s21 =	simm.s32 $0xFFFFB080;
	(ifvalue) =	ssetifvalue $0x7FFFFFFF  }
0x69: {  	[tilespmem:s31], [sflag:$0x1] =	stream.indirect_vreg.gather [hbm4b:s3+s11], $0x1, v2, vm0, $0x4038;
	[tilespmem:$0x15400] =	vst v63  }
0x6a: {  	s22 =	simm.s32 $0x0;
	s18 =	simm.s32 $0x10;
	(ifvalue) =	ssetifvalue $0x7FFFFFFF  }
.LBB2_3:
0x6b: {  	(ifvalue) =	ssetifvalue $0x7FFFFFFF;
	s17 =	sadd.s32 $0x80, s17;
	s22 =	sadd.s32 $0x1, s22  }
0x6c: {  	[tilespmem:s23], [sflag:$0x1] =	stream.indirect_vreg.gather [hbm4b:s3+s11], $0x1, v1, vm0, $0x4038;
	[tilespmem:$0x15400] =	vst v63  }
0x6d: {  	p1 =	sne.s32 s18, $0x9F0;
	s23 =	smov.u32 s18;
	s18 =	sadd.s32 $0x10, s18;
	v1 =	vld.msk [tilespmem:s19+$0x0 ss:$0x1], $0xffff  }
0x6e: {  	(ifvalue) =	ssetifvalue $0x7FFFFFFF;
	_ =	sdelay $0x4  }
0x6f: {  	v2 =	vshrl.u32 v1, $0xD;
	v3 =	vshll.u32 v1, $0x18;
	v4 =	vshll.u32 v1, $0xB  }
0x70: {  	vm1 =	veq.s32 v1, $0x80000000;
	v1 =	vand.u32 $0x3FF, v2;
	v2 =	vand.u32 $0x7000000, v3  }
0x71: {  	p2 =	sgt.s32 s20, $0x0;
	s24 =	smov.u32 s20;
	v3 =	vand.u32 $0xFFC000, v4;
	v1 =	vsel vm1, $0xFFFFFFFF, v1  }
0x72: {  	s24 =	simm.s32 @!p2 $0x0;
	v2 =	vor.u32 v3, v2;
	v3 =	vshll.u32 v1, $0x3  }
0x73: {  	s24 =	smin.u32 s24, $0x10;
	v2 =	vsel vm1, $0xFEFFC000, v2;
	v3 =	vand.u32 $0xFFFFFC00, v3  }
0x74: {  	v1 =	vand.u32 $0x7F, v1;
	v2 =	vadd.s32 v2, v3;
	v3 =	vmov s24  }
0x75: {  	v1 =	vor.u32 v1, v2;
	vm1 =	vgt.u32 v3, v0  }
0x76: {  	v2 =	vnsel vm1, $0x7FFFFFFF, v1;
	v3 =	vor.u32 $0x80, v1;
	v4 =	vor.u32 $0x100, v1  }
0x77: {  	s24 =	sadd.s32 $0x5000, s21;
	v5 =	vor.u32 $0x180, v1;
	v6 =	vor.u32 $0x200, v1;
	v7 =	vor.u32 $0x280, v1  }
0x78: {  	s24 =	sand.u32 $0x7C00, s24;
	v8 =	vor.u32 $0x300, v1;
	v6 =	vnsel vm1, $0x7FFFFFFF, v6;
	v7 =	vnsel vm1, $0x7FFFFFFF, v7  }
0x79: {  	s23 =	sand.u32 $0x70, s23;
	s24 =	sadd.s32 s24, s16;
	v9 =	vor.u32 $0x380, v1;
	v3 =	vnsel vm1, $0x7FFFFFFF, v3;
	v8 =	vnsel vm1, $0x7FFFFFFF, v8  }
0x7a: {  	v10 =	vadd.s32 $0x2000, v1;
	v11 =	vadd.s32 $0x2080, v1;
	s23 =	sadd.s32 s23, s24;
	v9 =	vnsel vm1, $0x7FFFFFFF, v9;
	(ifvalue) =	ssetifvalue $0x7FFFFFFF  }
0x7b: {  	[tilespmem:s23], [sflag:$0x1] =	stream.indirect_vreg.gather [hbm4b:s3+s11], $0x1, v2, vm0, $0x4038;
	v2 =	vnsel vm1, $0x7FFFFFFF, v10;
	v10 =	vnsel vm1, $0x7FFFFFFF, v11;
	v11 =	vadd.s32 $0x2100, v1;
	[tilespmem:$0x15400] =	vst v63  }
0x7c: {  	v12 =	vadd.s32 $0x2180, v1;
	v4 =	vnsel vm1, $0x7FFFFFFF, v4;
	(ifvalue) =	ssetifvalue $0x7FFFFFFF;
	v11 =	vnsel vm1, $0x7FFFFFFF, v11  }
0x7d: {  	v13 =	vadd.s32 $0x2200, v1;
	v14 =	vadd.s32 $0x2280, v1;
	v12 =	vnsel vm1, $0x7FFFFFFF, v12;
	s24 =	sadd.s32 $0x80, s23;
	(ifvalue) =	ssetifvalue $0x7FFFFFFF  }
0x7e: {  	[tilespmem:s24], [sflag:$0x1] =	stream.indirect_vreg.gather [hbm4b:s3+s11], $0x1, v3, vm0, $0x4038;
	v3 =	vnsel vm1, $0x7FFFFFFF, v13;
	v13 =	vnsel vm1, $0x7FFFFFFF, v14;
	v14 =	vadd.s32 $0x2300, v1;
	[tilespmem:$0x15400] =	vst v63  }
0x7f: {  	v5 =	vnsel vm1, $0x7FFFFFFF, v5;
	v1 =	vadd.s32 $0x2380, v1;
	(ifvalue) =	ssetifvalue $0x7FFFFFFF;
	v14 =	vnsel vm1, $0x7FFFFFFF, v14  }
0x80: {  	s24 =	sadd.s32 $0x100, s23;
	v1 =	vnsel vm1, $0x7FFFFFFF, v1;
	(ifvalue) =	ssetifvalue $0x7FFFFFFF  }
0x81: {  	[tilespmem:s24], [sflag:$0x1] =	stream.indirect_vreg.gather [hbm4b:s3+s11], $0x1, v4, vm0, $0x4038;
	[tilespmem:$0x15400] =	vst v63  }
0x82: {  	(ifvalue) =	ssetifvalue $0x7FFFFFFF  }
0x83: {  	s24 =	sadd.s32 $0x180, s23;
	(ifvalue) =	ssetifvalue $0x7FFFFFFF  }
0x84: {  	[tilespmem:s24], [sflag:$0x1] =	stream.indirect_vreg.gather [hbm4b:s3+s11], $0x1, v5, vm0, $0x4038;
	[tilespmem:$0x15400] =	vst v63  }
0x85: {  	(ifvalue) =	ssetifvalue $0x7FFFFFFF  }
0x86: {  	s24 =	sadd.s32 $0x200, s23;
	(ifvalue) =	ssetifvalue $0x7FFFFFFF  }
0x87: {  	[tilespmem:s24], [sflag:$0x1] =	stream.indirect_vreg.gather [hbm4b:s3+s11], $0x1, v6, vm0, $0x4038;
	[tilespmem:$0x15400] =	vst v63  }
0x88: {  	(ifvalue) =	ssetifvalue $0x7FFFFFFF  }
0x89: {  	s24 =	sadd.s32 $0x280, s23;
	(ifvalue) =	ssetifvalue $0x7FFFFFFF  }
0x8a: {  	[tilespmem:s24], [sflag:$0x1] =	stream.indirect_vreg.gather [hbm4b:s3+s11], $0x1, v7, vm0, $0x4038;
	[tilespmem:$0x15400] =	vst v63  }
0x8b: {  	s24 =	sand.u32 $0x7, s22;
	(ifvalue) =	ssetifvalue $0x7FFFFFFF  }
0x8c: {  	s25 =	sadd.s32 $0x300, s23;
	s24 =	sshll.u32 s24, $0x4;
	(ifvalue) =	ssetifvalue $0x7FFFFFFF  }
0x8d: {  	[tilespmem:s25], [sflag:$0x1] =	stream.indirect_vreg.gather [hbm4b:s3+s11], $0x1, v8, vm0, $0x4038;
	[tilespmem:$0x15400] =	vst v63  }
0x8e: {  	s24 =	sadd.s32 s24, s17;
	(ifvalue) =	ssetifvalue $0x7FFFFFFF  }
0x8f: {  	s24 =	sor.u32 $0x380, s24;
	(ifvalue) =	ssetifvalue $0x7FFFFFFF  }
0x90: {  	s24 =	sadd.s32 s24, s16  }
0x91: {  	[tilespmem:s24], [sflag:$0x1] =	stream.indirect_vreg.gather [hbm4b:s3+s11], $0x1, v9, vm0, $0x4038;
	[tilespmem:$0x15400] =	vst v63  }
0x92: {  	s24 =	sadd.s32 $0x5000, s23;
	(ifvalue) =	ssetifvalue $0x7FFFFFFF  }
0x93: {  	(ifvalue) =	ssetifvalue $0x7FFFFFFF  }
0x94: {  	[tilespmem:s24], [sflag:$0x1] =	stream.indirect_vreg.gather [hbm4b:s3+s11], $0x1, v2, vm0, $0x4038;
	[tilespmem:$0x15400] =	vst v63  }
0x95: {  	s24 =	sadd.s32 $0x5080, s23;
	(ifvalue) =	ssetifvalue $0x7FFFFFFF  }
0x96: {  	(ifvalue) =	ssetifvalue $0x7FFFFFFF  }
0x97: {  	[tilespmem:s24], [sflag:$0x1] =	stream.indirect_vreg.gather [hbm4b:s3+s11], $0x1, v10, vm0, $0x4038;
	[tilespmem:$0x15400] =	vst v63  }
0x98: {  	s24 =	sadd.s32 $0x5100, s23;
	(ifvalue) =	ssetifvalue $0x7FFFFFFF  }
0x99: {  	(ifvalue) =	ssetifvalue $0x7FFFFFFF  }
0x9a: {  	[tilespmem:s24], [sflag:$0x1] =	stream.indirect_vreg.gather [hbm4b:s3+s11], $0x1, v11, vm0, $0x4038;
	[tilespmem:$0x15400] =	vst v63  }
0x9b: {  	s24 =	sadd.s32 $0x5180, s23;
	(ifvalue) =	ssetifvalue $0x7FFFFFFF  }
0x9c: {  	(ifvalue) =	ssetifvalue $0x7FFFFFFF  }
0x9d: {  	[tilespmem:s24], [sflag:$0x1] =	stream.indirect_vreg.gather [hbm4b:s3+s11], $0x1, v12, vm0, $0x4038;
	[tilespmem:$0x15400] =	vst v63  }
0x9e: {  	s24 =	sadd.s32 $0x5200, s23;
	(ifvalue) =	ssetifvalue $0x7FFFFFFF  }
0x9f: {  	(ifvalue) =	ssetifvalue $0x7FFFFFFF  }
0xa0: {  	[tilespmem:s24], [sflag:$0x1] =	stream.indirect_vreg.gather [hbm4b:s3+s11], $0x1, v3, vm0, $0x4038;
	[tilespmem:$0x15400] =	vst v63  }
0xa1: {  	s24 =	sadd.s32 $0x5280, s23;
	(ifvalue) =	ssetifvalue $0x7FFFFFFF  }
0xa2: {  	(ifvalue) =	ssetifvalue $0x7FFFFFFF  }
0xa3: {  	[tilespmem:s24], [sflag:$0x1] =	stream.indirect_vreg.gather [hbm4b:s3+s11], $0x1, v13, vm0, $0x4038;
	[tilespmem:$0x15400] =	vst v63  }
.Ltmp3:
0xa4: {  	_ = 	snop;
	(pc) =	sbr.rel @p1 .LBB2_3-.Ltmp3, $4  }
0xa5: {  	s24 =	sadd.s32 $0x5300, s23;
	(ifvalue) =	ssetifvalue $0x7FFFFFFF  }
0xa6: {  	s20 =	sadd.s32 $0xFFFFFFF0, s20;
	s19 =	sadd.s32 $0x10, s19;
	(ifvalue) =	ssetifvalue $0x7FFFFFFF  }
0xa7: {  	[tilespmem:s24], [sflag:$0x1] =	stream.indirect_vreg.gather [hbm4b:s3+s11], $0x1, v14, vm0, $0x4038;
	[tilespmem:$0x15400] =	vst v63  }
0xa8: {  	s21 =	sadd.s32 $0x80, s21;
	s23 =	sadd.s32 $0x5380, s23;
	(ifvalue) =	ssetifvalue $0x7FFFFFFF  }
.Ltmp4:
0xa9: {  	_ = 	snop;
	(pc) =	sbr.rel .LBB2_4-.Ltmp4, $1  }
0xaa: {  	_ =	sdelay $0x3  }
.LBB2_6:
0xab: {  	_ =	sfence.sel $0x180000  }
0xac: {  	s2 =	simm.s32 $0x2;
	[bflag:$0x0] =	sbarrier.arrive $0xFFFF  }
0xad: {  	s30 =	simm.s32 $0x3;
	[sflag:s2] =	ssyncpa.u1 $0x1  }
0xae: {  	s31 =	simm.s32 $0x1;
	[sflag:s30] =	ssyncpa.u1 $0x1  }
0xaf: {  	[sflag:s31] =	ssyncpa.u1 $0x1  }
0xb0: {  	p0 =	sne.s32 s0, $0x0;
	_ =	strace $0x9000004A  }
0xb1: {  	s0 =	sadd.s32 @!p0 $0x100000, s1;
	[bflag:$0x2] =	sbarrier.arrive $0xFFFF  }
0xb2: {  	[sflag:s0] =	ssyncadd.tile.s32 @!p0 $0x1;
	_ =	shalt  }
.Lfunc_end2:
_tile_overlayer_lowered:
.L_overlay_start_2:
0xb3: {  	(tag) =	ssettag $0x2  }
0xb4: {  	s0 =	rddreg [dreg:$0x0];
	s2 =	stileid.u32  }
0xb5: {  	s1 =	rddreg [dreg:$0x1];
	p0 =	sne.s32 s2, $0x0  }
0xb6: {  	s3 =	rddreg [dreg:$0x2];
	[bflag:$0x3] =	sbarrier.arrive $0xFFFF;
	s2 =	simm.s32 @!p0 $0x1C01  }
0xb7: {  	[timem:s3], [sflag:s2] =	dma.local @!p0 [hbm:s0], s1  }
0xb8: {  	s0 =	simm.s32 @!p0 $0x1  }
0xb9: {  	_ =	swait.ge @!p0 [sflag:s0], s1  }
0xba: {  	s1 =	ssub.s32 @!p0 $0x0, s1;
	[sflag:s0] =	ssyncset.done @!p0 $0x0  }
0xbb: {  	[sflag:s0] =	ssyncadd.s32 @!p0 s1  }
0xbc: {  	[bflag:$0x3] =	sbarrier.arrive $0xFFFF  }
0xbd: {  	_ =	shalt  }

// kernel: kernel.4.cloned.1.call-start
scs
__scs_entry_jumppad:
0x0: {  	(pc) =	sbr.rel $0x88, $3  }
0x1: {  	(tag) =	ssettag $0x0;
	lr =	simm.s32 $0x1  }
0x2: {  	[smem:$0x3F91] =	sst lr;
	_ =	strace $0xD0000000  }
0x3: {  	_ = 	snop  }
0x4: {  	_ = 	snop  }
0x5: {  	_ = 	snop  }
0x6: {  	_ = 	snop  }
0x7: {  	_ = 	snop  }
__scs_overlays_trampoline_lowered:
0x8: {  	[smem:$0x3FA0] =	sst s0  }
0x9: {  	[smem:$0x3FA1] =	sst s1  }
0xa: {  	[smem:$0x3FA2] =	sst s2  }
0xb: {  	[smem:$0x3FA3] =	sst s3  }
0xc: {  	[smem:$0x3FA4] =	sst s4  }
0xd: {  	[smem:$0x3FA5] =	sst s5  }
0xe: {  	[smem:$0x3FA6] =	sst s6  }
0xf: {  	[smem:$0x3FA7] =	sst s7  }
0x10: {  	[smem:$0x3FA8] =	sst s8  }
0x11: {  	[smem:$0x3FA9] =	sst s9;
	s0 =	simm.s32 @!p0 $0x0  }
0x12: {  	s1 =	sld [smem:$0x3F8F];
	s0 =	simm.s32 @p0 $0x1  }
0x13: {  	[smem:$0x3FAA] =	sst s0;
	s0 =	simm.s32 @!p1 $0x0  }
0x14: {  	s2 =	sld [smem:$0x3F8E];
	s0 =	simm.s32 @p1 $0x1  }
0x15: {  	[smem:$0x3FAB] =	sst s0;
	s0 =	simm.s32 @!p2 $0x0  }
0x16: {  	s3 =	sld [smem:$0x3FDB];
	s0 =	simm.s32 @p2 $0x1  }
0x17: {  	s4 =	simm.s32 $0x1BF5;
	[smem:$0x3FAD] =	sst s0  }
0x18: {  	s0 =	sld [smem:$0x3F90];
	_ =	swait.ge [sflag:s4], $0x0  }
0x19: {  	s7 =	sld [smem:$0x3F91]  }
0x1a: {  	s8 =	sadd.s32 $0xFFFFE003, lr  }
0x1b: {  	s9 =	sadd.s32 $0xFFFFFEF7, lr;
	s5 =	simm.s32 $0xFFFFFFFF;
	p2 =	slt.u32 s8, $0xFFFFF086  }
0x1c: {  	p1 =	slt.u32 s9, $0xF7A;
	s5 =	simm.s32 @!p2 $0x0  }
0x1d: {  	s5 =	simm.s32 @p1 $0x1;
	p0 =	seq.s32 s7, s2  }
0x1e: {  	s7 =	smul.u32 @!p0 $0xF7A, s2;
	p2 =	seq.s32 @!p0 s5, $0x0  }
0x1f: {  	s9 =	smul.u32 $0xF7A, s1;
	s8 =	simm.s32 @!p0 $0x1BF5;
	p2 =	por !p2, p0  }
0x20: {  	[sflag:s8] =	ssyncset.s32 @!p0 $0xFFFFF086;
	s6 =	sadd.s32 @!p0 s3, s7;
	s7 =	simm.s32 @!p0 $0x108  }
0x21: {  	s3 =	sadd.s32 s3, s9;
	s6 =	sadd.s32 @!p0 $0x88, s6;
	s7 =	simm.s32 @p2 $0x1082  }
0x22: {  	[simem:s7], [sflag:s8] =	dma.local @!p0 [hbm:s6], $0xF7A  }
0x23: {  	s9 =	sor.u32 $0xD0000000, s2;
	s6 =	simm.s32 $0x108;
	_ =	swait.ge @!p0 [sflag:s8], $0x0  }
0x24: {  	s3 =	sadd.s32 $0x88, s3;
	s6 =	simm.s32 @!p1 $0x1082;
	[sflag:s4] =	ssyncset.s32 $0xFFFFF086  }
0x25: {  	[simem:s6], [sflag:s4] =	dma.local [hbm:s3], $0xF7A  }
0x26: {  	[smem:$0x3F91] =	sst s1;
	(tag) =	ssettag s2;
	_ =	strace s9  }
0x27: {  	s1 =	sld [smem:$0x3FA1]  }
0x28: {  	s2 =	sld [smem:$0x3FA2]  }
0x29: {  	s4 =	sld [smem:$0x3FA4]  }
0x2a: {  	p0 =	seq.s32 s5, $0x0;
	s5 =	sld [smem:$0x3FA5]  }
0x2b: {  	s6 =	sld [smem:$0x3FA6]  }
0x2c: {  	s7 =	sld [smem:$0x3FA7]  }
0x2d: {  	s3 =	simm.s32 $0x108;
	s8 =	sld [smem:$0x3FA8]  }
0x2e: {  	s3 =	simm.s32 @!p0 $0x1082;
	s9 =	sld [smem:$0x3FA9]  }
0x2f: {  	lr =	sadd.s32 s0, s3;
	s0 =	sld [smem:$0x3FA0]  }
0x30: {  	s3 =	sld [smem:$0x3FA3]  }
0x31: {  	[smem:$0x3FAC] =	sst s10  }
0x32: {  	s10 =	sld [smem:$0x3FAA];
	_ =	sdelay $0x3  }
0x33: {  	p0 =	seq.s32 s10, $0x1;
	s10 =	sld [smem:$0x3FAC];
	_ =	sdelay $0x3  }
0x34: {  	[smem:$0x3FAC] =	sst s10  }
0x35: {  	s10 =	sld [smem:$0x3FAB];
	_ =	sdelay $0x3  }
0x36: {  	p1 =	seq.s32 s10, $0x1;
	s10 =	sld [smem:$0x3FAC];
	_ =	sdelay $0x3  }
0x37: {  	[smem:$0x3FAC] =	sst s10  }
0x38: {  	s10 =	sld [smem:$0x3FAD]  }
0x39: {  	_ = 	snop;
	(pc) =	sbr.ind lr, $3  }
0x3a: {  	_ = 	snop  }
0x3b: {  	_ = 	snop  }
0x3c: {  	p2 =	seq.s32 s10, $0x1;
	s10 =	sld [smem:$0x3FAC]  }
0x3d: {  	_ =	shalt  }
0x3e: {  	_ =	shalt  }
0x3f: {  	_ =	shalt  }
0x40: {  	_ =	shalt  }
0x41: {  	_ =	shalt  }
0x42: {  	_ =	shalt  }
0x43: {  	_ =	shalt  }
0x44: {  	_ =	shalt  }
0x45: {  	_ =	shalt  }
0x46: {  	_ =	shalt  }
0x47: {  	_ =	shalt  }
0x48: {  	_ =	shalt  }
0x49: {  	_ =	shalt  }
0x4a: {  	_ =	shalt  }
0x4b: {  	_ =	shalt  }
0x4c: {  	_ =	shalt  }
0x4d: {  	_ =	shalt  }
0x4e: {  	_ =	shalt  }
0x4f: {  	_ =	shalt  }
0x50: {  	_ =	shalt  }
0x51: {  	_ =	shalt  }
0x52: {  	_ =	shalt  }
0x53: {  	_ =	shalt  }
0x54: {  	_ =	shalt  }
0x55: {  	_ =	shalt  }
0x56: {  	_ =	shalt  }
0x57: {  	_ =	shalt  }
0x58: {  	_ =	shalt  }
0x59: {  	_ =	shalt  }
0x5a: {  	_ =	shalt  }
0x5b: {  	_ =	shalt  }
0x5c: {  	_ =	shalt  }
0x5d: {  	_ =	shalt  }
0x5e: {  	_ =	shalt  }
0x5f: {  	_ =	shalt  }
0x60: {  	_ =	shalt  }
0x61: {  	_ =	shalt  }
0x62: {  	_ =	shalt  }
0x63: {  	_ =	shalt  }
0x64: {  	_ =	shalt  }
0x65: {  	_ =	shalt  }
0x66: {  	_ =	shalt  }
0x67: {  	_ =	shalt  }
0x68: {  	_ =	shalt  }
0x69: {  	_ =	shalt  }
0x6a: {  	_ =	shalt  }
0x6b: {  	_ =	shalt  }
0x6c: {  	_ =	shalt  }
0x6d: {  	_ =	shalt  }
0x6e: {  	_ =	shalt  }
0x6f: {  	_ =	shalt  }
0x70: {  	_ =	shalt  }
0x71: {  	_ =	shalt  }
0x72: {  	_ =	shalt  }
0x73: {  	_ =	shalt  }
0x74: {  	_ =	shalt  }
0x75: {  	_ =	shalt  }
0x76: {  	_ =	shalt  }
0x77: {  	_ =	shalt  }
0x78: {  	_ =	shalt  }
0x79: {  	_ =	shalt  }
0x7a: {  	_ =	shalt  }
0x7b: {  	_ =	shalt  }
0x7c: {  	_ =	shalt  }
0x7d: {  	_ =	shalt  }
0x7e: {  	_ =	shalt  }
0x7f: {  	_ =	shalt  }
0x80: {  	_ =	shalt  }
0x81: {  	_ =	shalt  }
0x82: {  	_ =	shalt  }
0x83: {  	_ =	shalt  }
0x84: {  	_ =	shalt  }
0x85: {  	_ =	shalt  }
0x86: {  	_ =	shalt  }
0x87: {  	_ =	shalt  }
.Lfunc_end0:
.L_simem_size_0:
called_computation.6_lowered:
.L_overlay_start_0:
0x88: {  	s2 =	sld [smem:$0x3FD9]  }
0x89: {  	s3 =	sld [smem:$0x3FFE];
	_ =	sdelay $0x1  }
0x8a: {  	s1 =	srdreg.scid  }
0x8b: {  	s0 =	sand.u32 $0x1, s1  }
0x8c: {  	s14 =	sshll.u32 s0, $0xA;
	s2 =	sadd.s32 s3, s2  }
0x8d: {  	s2 =	sadd.s32 s2, s14  }
0x8e: {  	[smem:$0x3FB8] =	sst s2  }
0x8f: {  	_ = 	snop  }
0x90: {  	s2 =	sld [smem:$0x3FD0];
	_ =	sdelay $0x2  }
0x91: {  	s15 =	simm.s32 $0xB;
	s4 =	simm.s32 $0x10  }
0x92: {  	[smem:s4], [sflag:s15] =	dma.local [hbm:s2], $0x1  }
0x93: {  	_ =	swait.eq [sflag:s15], $0x1  }
0x94: {  	[sflag:s15] =	ssyncset.done $0x0  }
0x95: {  	[sflag:s15] =	ssyncadd.s32 $0xFFFFFFFF  }
0x96: {  	s16 =	sld [smem:$0x13];
	(tm) =	ssettm $0x1  }
0x97: {  	s17 =	sld [smem:$0x3FFB];
	_ =	sdelay $0x3  }
0x98: {  	_ =	strace s17  }
0x99: {  	s3 =	sld [smem:$0x3FFC];
	_ =	sdelay $0x3  }
0x9a: {  	_ =	strace s3  }
0x9b: {  	s3 =	sld [smem:$0x3FFD];
	_ =	sdelay $0x3  }
0x9c: {  	_ =	strace s3  }
0x9d: {  	_ =	strace $0x8FFFFFFF  }
0x9e: {  	s18 =	sld [smem:$0x3FDB];
	_ =	sdelay $0x1  }
0x9f: {  	s19 =	simm.s32 $_scs_section_size  }
0xa0: {  	s5 =	simm.s32 $_size__tile_overlayer_lowered;
	s6 =	simm.s32 $_tile_overlayer_lowered  }
0xa1: {  	s22 =	simm.s32 $0x1BFF;
	s21 =	sshll.u32 s6, $0x1;
	s3 =	sadd.s32 s19, s18  }
0xa2: {  	s7 =	simm.s32 $0x0;
	s20 =	sshll.u32 s5, $0x1;
	s5 =	sadd.s32 s21, s3  }
0xa3: {  	[timem:s7], [sflag:s22] =	dma.local [hbm:s5], s20  }
0xa4: {  	_ =	swait.ge [sflag:s22], s20  }
0xa5: {  	s4 =	ssub.s32 $0x0, s20;
	[sflag:s22] =	ssyncset.done $0x0  }
0xa6: {  	[sflag:s22] =	ssyncadd.s32 s4;
	_ =	sdelay $0x1  }
0xa7: {  	s23 =	simm.s32 $0x1B8B  }
0xa8: {  	_ =	swait.ge [sflag:s23], $0x1  }
0xa9: {  	[sflag:s23] =	ssyncset.done $0x0  }
0xaa: {  	s25 =	simm.s32 $0x1B8E;
	s24 =	sld [smem:$0x3FFE];
	[sflag:s23] =	ssyncadd.s32 $0xFFFFFFFF  }
0xab: {  	s26 =	simm.s32 $execute0_lowered;
	[smem:$0x3FD2] =	sst s25  }
0xac: {  	s5 =	sshll.u32 s26, $0x1;
	_ =	strace $0x80000052;
	[dreg:$0x1] =	wrdreg $0xFFFFFFFF  }
0xad: {  	s28 =	simm.s32 $_size_execute0_lowered;
	s3 =	sadd.s32 s3, s5;
	[dreg:$0x0] =	wrdreg $0x0  }
0xae: {  	s5 =	sshll.u32 s28, $0x1;
	[dreg:$0x2] =	wrdreg s3  }
0xaf: {  	[dreg:$0x3] =	wrdreg s5  }
0xb0: {  	[dreg:$0x4] =	wrdreg $0xC0  }
0xb1: {  	_ =	task [dreg:s7], $0x5FFFF  }
0xb2: {  	[dreg:$0x1] =	wrdreg $0xFFFFFFFF  }
0xb3: {  	[dreg:$0x0] =	wrdreg $0x60  }
0xb4: {  	[dreg:$0x2] =	wrdreg s16  }
0xb5: {  	[dreg:$0x3] =	wrdreg s24  }
0xb6: {  	[dreg:$0x4] =	wrdreg $0x9  }
0xb7: {  	_ =	task.clear_ibuf [dreg:s7], $0x5FFFF;
	_ =	strace $0x90000052  }
0xb8: {  	s29 =	simm.s32 $0x9;
	_ =	strace $0x80000054  }
0xb9: {  	_ =	swait.ge [sflag:s29], $0x1  }
0xba: {  	[sflag:s29] =	ssyncadd.s32 $0xFFFFFFFF  }
0xbb: {  	_ =	strace $0x90000054  }
0xbc: {  	_ =	sfence  }
0xbd: {  	s30 =	sld [smem:$0x0];
	_ =	sdelay $0x2  }
0xbe: {  	s31 =	sshll.u32 s1, $0xD;
	s1 =	sshrl.u32 s1, $0x2  }
0xbf: {  	s3 =	sand.u32 $0x4000, s31;
	s1 =	sadd.s32 s1, s30  }
0xc0: {  	s0 =	sor.u32 s3, s0;
	s1 =	sshll.u32 s1, $0x11  }
0xc1: {  	s0 =	sor.u32 s1, s0  }
0xc2: {  	s0 =	sadd.s32 $0x8F2B, s0  }
0xc3: {  	[sflag:s0] =	ssyncadd.remote.s32 $0x1  }
0xc4: {  	_ =	sfence.sel $0xFFFF  }
0xc5: {  	[dreg:$0x0] =	wrdreg $0xFFFFFFFF;
	(pc) =	sbr.abs _section_cstart, $3  }
0xc6: {  	[dreg:$0x1] =	wrdreg $0xFFFFFFFF  }
0xc7: {  	_ =	task.clear_ibuf [dreg:s7], $0x2FFFF;
	_ =	strace $0x9FFFFFFF  }
0xc8: {  	(tm) =	ssettm $0x7FFFFFFF  }
0xc9: {  	_ =	shalt  }
tec
execute0_lowered:
.L_overlay_start_1:
0x0: {  	(tag) =	ssettag $0x1  }
0x1: {  	s1 =	rddreg [dreg:$0x0]  }
0x2: {  	s5 =	rddreg [dreg:$0x1];
	s2 =	srdreg.scid  }
0x3: {  	s0 =	rddreg [dreg:$0x2];
	s3 =	simm.s32 $0x0;
	s11 =	simm.s32 $0x1  }
0x4: {  	s12 =	simm.s32 $0x0;
	s6 =	sand.u32 $0x1, s2;
	[smem:$0x7FF] =	sst s3  }
0x5: {  	s2 =	stileid.u32;
	s4 =	sadd.s32 $0x140000, s5;
	s7 =	ssub.s32 $0x2, s6  }
0x6: {  	_ =	strace $0x80000053;
	s8 =	sshll.u32 s2, $0x13;
	s29 =	sshll.u32 s2, $0xF  }
0x7: {  	s30 =	sshll.u32 s6, $0xE;
	s10 =	sshll.u32 s6, $0x12;
	s9 =	sshrl.u32 s7, $0x1  }
0x8: {  	s8 =	sadd.s32 s8, s5;
	s5 =	sor.u32 s30, s29;
	s7 =	ssub.s32 s7, s9  }
0x9: {  	s31 =	sadd.s32 s10, s8;
	s8 =	simm.s32 $0x2;
	s9 =	simm.s32 $0x80  }
0xa: {  	s10 =	simm.s32 $0x800;
	s6 =	smax.u32 s7, $0x1;
	s7 =	sadd.s32 $0x340000, s31  }
.LBB2_1:
0xb: {  	s13 =	smov.u32 s7;
	s14 =	simm.s32 $0x0  }
.LBB2_2:
0xc: {  	s15 =	sshll.u32 s14, $0xB  }
0xd: {  	s15 =	sadd.s32 s5, s15  }
0xe: {  	s15 =	sshrl.u32 s15, $0x3  }
0xf: {  	s16 =	simm.s32 $0x0;
	s15 =	sadd.s32 s1, s15  }
0x10: {  	[tilespmem:s16], [sflag:$0x2] =	stream.linear.gather [hbm4b:s15+s16], $0x800, $0x38;
	[tilespmem:$0x4800] =	vst v63  }
0x11: {  	_ =	swait.ge [sflag:s8], $0x800  }
0x12: {  	[sflag:s8] =	ssyncset.done $0x0  }
0x13: {  	s31 =	simm.s32 $0x0;
	[sflag:s8] =	ssyncadd.s32 $0xFFFFF800  }
0x14: {  	[tilespmem:s10], [sflag:$0x1] =	stream.indirect.gather [hbm4b:s4+s9], $0x80, s31, s9, $0xb8;
	[tilespmem:$0x4800] =	vst v63  }
0x15: {  	_ =	swait.ge [sflag:s11], $0x4000  }
0x16: {  	[sflag:s11] =	ssyncset.done $0x0  }
0x17: {  	[sflag:s11] =	ssyncadd.s32 $0xFFFFC000  }
0x18: {  	[hbm4b:s13+s3] =	stream.linear.scatter [tilespmem:s10], [sflag:$0x2], $0x4000, $0x38;
	[tilespmem:$0x4800] =	vst v63  }
0x19: {  	s17 =	simm.s32 $0x400;
	_ =	swait.ge [sflag:s8], $0x4000  }
0x1a: {  	s16 =	simm.s32 $0x200;
	s15 =	sadd.s32 $0x800, s13;
	[sflag:s8] =	ssyncset.done $0x0  }
.LBB2_3:
0x1b: {  	s18 =	sshra.s32 s16, $0x2  }
0x1c: {  	[sflag:s8] =	ssyncadd.s32 $0xFFFFC000;
	s16 =	smov.u32 s17;
	s19 =	sadd.s32 $0x200, s17  }
0x1d: {  	[tilespmem:s10], [sflag:$0x1] =	stream.indirect.gather [hbm4b:s4+s9], $0x80, s18, s9, $0xb8;
	[tilespmem:$0x4800] =	vst v63  }
0x1e: {  	p0 =	sne.s32 s17, $0x1E00;
	_ =	swait.ge [sflag:s11], $0x4000  }
.Ltmp0:
0x1f: {  	[sflag:s11] =	ssyncset.done $0x0;
	(pc) =	sbr.rel @p0 .LBB2_3-.Ltmp0, $4  }
0x20: {  	[sflag:s11] =	ssyncadd.s32 $0xFFFFC000  }
0x21: {  	[hbm4b:s15+s3] =	stream.linear.scatter [tilespmem:s10], [sflag:$0x2], $0x4000, $0x38;
	[tilespmem:$0x4800] =	vst v63  }
0x22: {  	_ =	swait.ge [sflag:s8], $0x4000  }
0x23: {  	s17 =	smov.u32 s19;
	s15 =	sadd.s32 $0x800, s15;
	[sflag:s8] =	ssyncset.done $0x0  }
0x24: {  	s16 =	sshra.s32 s16, $0x2;
	[sflag:s8] =	ssyncadd.s32 $0xFFFFC000  }
0x25: {  	[tilespmem:s10], [sflag:$0x1] =	stream.indirect.gather [hbm4b:s4+s9], $0x80, s16, s9, $0xb8;
	[tilespmem:$0x4800] =	vst v63  }
0x26: {  	s14 =	sadd.s32 $0x1, s14;
	_ =	swait.ge [sflag:s11], $0x4000  }
0x27: {  	p0 =	sne.s32 s14, $0x8;
	[sflag:s11] =	ssyncset.done $0x0  }
.Ltmp1:
0x28: {  	[sflag:s11] =	ssyncadd.s32 $0xFFFFC000;
	(pc) =	sbr.rel @p0 .LBB2_2-.Ltmp1, $4  }
0x29: {  	[hbm4b:s15+s3] =	stream.linear.scatter [tilespmem:s10], [sflag:$0x2], $0x4000, $0x38;
	[tilespmem:$0x4800] =	vst v63  }
0x2a: {  	_ =	swait.ge [sflag:s8], $0x4000  }
0x2b: {  	[sflag:s8] =	ssyncset.done $0x0  }
0x2c: {  	s13 =	sadd.s32 $0x8000, s13;
	[sflag:s8] =	ssyncadd.s32 $0xFFFFC000  }
0x2d: {  	s12 =	sadd.s32 $0x1, s12  }
0x2e: {  	p0 =	sne.s32 s12, s6  }
.Ltmp2:
0x2f: {  	_ = 	snop;
	(pc) =	sbr.rel @p0 .LBB2_1-.Ltmp2, $1  }
0x30: {  	_ =	sdelay $0x3  }
0x31: {  	_ =	sfence.sel $0x180000  }
0x32: {  	[bflag:$0x0] =	sbarrier.arrive $0xFFFF  }
0x33: {  	p0 =	sne.s32 s2, $0x0;
	_ =	strace $0x90000053  }
0x34: {  	s0 =	sadd.s32 @!p0 $0x100000, s0;
	[bflag:$0x2] =	sbarrier.arrive $0xFFFF  }
0x35: {  	[sflag:s0] =	ssyncadd.tile.s32 @!p0 $0x1;
	_ =	shalt  }
.Lfunc_end2:
_tile_overlayer_lowered:
.L_overlay_start_2:
0x36: {  	(tag) =	ssettag $0x2  }
0x37: {  	s0 =	rddreg [dreg:$0x0];
	s2 =	stileid.u32  }
0x38: {  	s1 =	rddreg [dreg:$0x1];
	p0 =	sne.s32 s2, $0x0  }
0x39: {  	s3 =	rddreg [dreg:$0x2];
	[bflag:$0x3] =	sbarrier.arrive $0xFFFF;
	s2 =	simm.s32 @!p0 $0x1C02  }
0x3a: {  	[timem:s3], [sflag:s2] =	dma.local @!p0 [hbm:s0], s1  }
0x3b: {  	s0 =	simm.s32 @!p0 $0x2  }
0x3c: {  	_ =	swait.ge @!p0 [sflag:s0], s1  }
0x3d: {  	s1 =	ssub.s32 @!p0 $0x0, s1;
	[sflag:s0] =	ssyncset.done @!p0 $0x0  }
0x3e: {  	[sflag:s0] =	ssyncadd.s32 @!p0 s1  }
0x3f: {  	[bflag:$0x3] =	sbarrier.arrive $0xFFFF  }
0x40: {  	_ =	shalt  }

// kernel: sparse-core-data-format-call.1.cloned.1.call-start
scs
called_computation.1_lowered:
.L_overlay_start_0:
0x0: {  	s2 =	sld [smem:$0x3FD9]  }
0x1: {  	s3 =	sld [smem:$0x3FFE];
	_ =	sdelay $0x1  }
0x2: {  	s1 =	srdreg.scid  }
0x3: {  	s0 =	sand.u32 $0x1, s1  }
0x4: {  	s15 =	sshll.u32 s0, $0xA;
	s2 =	sadd.s32 s3, s2  }
0x5: {  	s2 =	sadd.s32 s2, s15  }
0x6: {  	[smem:$0x3FB8] =	sst s2  }
0x7: {  	_ = 	snop  }
0x8: {  	s2 =	sld [smem:$0x3FD0];
	_ =	sdelay $0x2  }
0x9: {  	s16 =	simm.s32 $0xB;
	s4 =	simm.s32 $0x10  }
0xa: {  	[smem:s4], [sflag:s16] =	dma.local [hbm:s2], $0x1  }
0xb: {  	_ =	swait.eq [sflag:s16], $0x1  }
0xc: {  	[sflag:s16] =	ssyncset.done $0x0  }
0xd: {  	[sflag:s16] =	ssyncadd.s32 $0xFFFFFFFF  }
0xe: {  	s17 =	sld [smem:$0x14];
	(tm) =	ssettm $0x1  }
0xf: {  	s18 =	sld [smem:$0x3FFB];
	_ =	sdelay $0x3  }
0x10: {  	_ =	strace s18  }
0x11: {  	s3 =	sld [smem:$0x3FFC];
	_ =	sdelay $0x3  }
0x12: {  	_ =	strace s3  }
0x13: {  	s3 =	sld [smem:$0x3FFD];
	_ =	sdelay $0x3  }
0x14: {  	_ =	strace s3  }
0x15: {  	_ =	strace $0x8FFFFFFF  }
0x16: {  	s19 =	sld [smem:$0x3FDB];
	_ =	sdelay $0x1  }
0x17: {  	s20 =	simm.s32 $_scs_section_size  }
0x18: {  	s5 =	simm.s32 $_size__tile_overlayer_lowered;
	s6 =	simm.s32 $_tile_overlayer_lowered  }
0x19: {  	s23 =	simm.s32 $0x1BFF;
	s22 =	sshll.u32 s6, $0x1;
	s3 =	sadd.s32 s20, s19  }
0x1a: {  	s7 =	simm.s32 $0x0;
	s21 =	sshll.u32 s5, $0x1;
	s5 =	sadd.s32 s22, s3  }
0x1b: {  	[timem:s7], [sflag:s23] =	dma.local [hbm:s5], s21  }
0x1c: {  	_ =	swait.ge [sflag:s23], s21  }
0x1d: {  	s4 =	ssub.s32 $0x0, s21;
	[sflag:s23] =	ssyncset.done $0x0  }
0x1e: {  	[sflag:s23] =	ssyncadd.s32 s4;
	_ =	sdelay $0x1  }
0x1f: {  	s24 =	simm.s32 $0x1B8B  }
0x20: {  	_ =	swait.ge [sflag:s24], $0x1  }
0x21: {  	[sflag:s24] =	ssyncset.done $0x0  }
0x22: {  	s26 =	simm.s32 $0x1B8E;
	s25 =	sld [smem:$0x3FFE];
	[sflag:s24] =	ssyncadd.s32 $0xFFFFFFFF  }
0x23: {  	s27 =	simm.s32 $execute0_lowered;
	[smem:$0x3FD2] =	sst s26  }
0x24: {  	s5 =	sshll.u32 s27, $0x1;
	_ =	strace $0x80000055;
	[dreg:$0x1] =	wrdreg $0xFFFFFFFF  }
0x25: {  	s28 =	simm.s32 $_size_execute0_lowered;
	s3 =	sadd.s32 s3, s5;
	[dreg:$0x0] =	wrdreg $0x0  }
0x26: {  	s5 =	sshll.u32 s28, $0x1;
	[dreg:$0x2] =	wrdreg s3  }
0x27: {  	[dreg:$0x3] =	wrdreg s5  }
0x28: {  	[dreg:$0x4] =	wrdreg $0xC0  }
0x29: {  	_ =	task [dreg:s7], $0x5FFFF  }
0x2a: {  	[dreg:$0x1] =	wrdreg $0xFFFFFFFF  }
0x2b: {  	[dreg:$0x0] =	wrdreg $0x60  }
0x2c: {  	[dreg:$0x2] =	wrdreg s25  }
0x2d: {  	[dreg:$0x3] =	wrdreg s17  }
0x2e: {  	[dreg:$0x4] =	wrdreg $0xA  }
0x2f: {  	_ =	task.clear_ibuf [dreg:s7], $0x5FFFF;
	_ =	strace $0x90000055  }
0x30: {  	s29 =	simm.s32 $0xA;
	_ =	strace $0x80000057  }
0x31: {  	_ =	swait.ge [sflag:s29], $0x1  }
0x32: {  	[sflag:s29] =	ssyncadd.s32 $0xFFFFFFFF  }
0x33: {  	_ =	strace $0x90000057  }
0x34: {  	_ =	sfence  }
0x35: {  	s30 =	sld [smem:$0x0];
	_ =	sdelay $0x2  }
0x36: {  	s31 =	sshll.u32 s1, $0xD;
	s1 =	sshrl.u32 s1, $0x2  }
0x37: {  	s3 =	sand.u32 $0x4000, s31;
	s1 =	sadd.s32 s1, s30  }
0x38: {  	s0 =	sor.u32 s3, s0;
	s1 =	sshll.u32 s1, $0x11  }
0x39: {  	s0 =	sor.u32 s1, s0  }
0x3a: {  	s0 =	sadd.s32 $0x8F2B, s0  }
0x3b: {  	[sflag:s0] =	ssyncadd.remote.s32 $0x1  }
0x3c: {  	_ =	sfence.sel $0xFFFF  }
0x3d: {  	[dreg:$0x0] =	wrdreg $0xFFFFFFFF;
	(pc) =	sbr.abs _section_cstart, $3  }
0x3e: {  	[dreg:$0x1] =	wrdreg $0xFFFFFFFF  }
0x3f: {  	_ =	task.clear_ibuf [dreg:s7], $0x2FFFF;
	_ =	strace $0x9FFFFFFF  }
0x40: {  	(tm) =	ssettm $0x7FFFFFFF  }
0x41: {  	_ =	shalt  }
tec
execute0_lowered:
.L_overlay_start_1:
0x0: {  	(tag) =	ssettag $0x1  }
0x1: {  	s0 =	stileid.u32;
	s4 =	rddreg [dreg:$0x0]  }
0x2: {  	s1 =	srdreg.scid;
	s3 =	rddreg [dreg:$0x1];
	s7 =	simm.s32 $0x1  }
0x3: {  	s31 =	simm.s32 $0x2;
	s2 =	sshll.u32 s0, $0x4;
	s1 =	sshll.u32 s1, $0x8  }
0x4: {  	s15 =	simm.s32 $0x0;
	s9 =	simm.s32 $0x2000;
	s1 =	sor.u32 s2, s1  }
0x5: {  	s14 =	simm.s32 $0x0;
	s16 =	simm.s32 $0x0;
	s2 =	sand.u32 $0x180, s1  }
0x6: {  	s10 =	simm.s32 $0x0;
	s13 =	simm.s32 $0x0;
	s5 =	ssub.s32 $0x400, s2  }
0x7: {  	s4 =	sadd.s32 $0xB40000, s4;
	s1 =	rddreg [dreg:$0x2];
	s6 =	sand.u32 $0x180, s5  }
.Ltmp0:
0x8: {  	_ =	strace $0x80000056;
	p0 =	sne.s32 s6, $0x0;
	(pc) =	sbr.rel .LBB1_1-.Ltmp0, $4  }
0x9: {  	s11 =	smov.u32 s2;
	s8 =	sshrl.u32 s5, $0x9;
	s7 =	simm.s32 @!p0 $0x0  }
0xa: {  	s5 =	sand.u32 $0x7, s0;
	s6 =	simm.s32 $0x1;
	s7 =	sadd.s32 s7, s8  }
0xb: {  	s12 =	smov.u32 s5;
	[sflag:s6] =	ssyncpa.u1 $0x0;
	s7 =	sshll.u32 s7, $0x5  }
0xc: {  	p0 =	por $0x0, $0x0;
	[sflag:s31] =	ssyncpa.u1 $0x0;
	s8 =	sor.u32 $0x1, s7  }
.LBB1_4:
0xd: {  	s16 =	sshll.u32 s16, $0x12  }
0xe: {  	s19 =	sand.u32 $0x1F80, s14;
	s15 =	sshll.u32 s15, $0xD;
	s16 =	sadd.s32 s3, s16  }
0xf: {  	[tilespmem:s18+$0x810 ss:$0x81] =	vst.msk $0xffff, v2;
	s20 =	sshrl.u32 s14, $0x3;
	s30 =	sand.u32 $0x7, s14;
	s16 =	sadd.s32 s19, s16  }
0x10: {  	[tilespmem:s18+$0x1020 ss:$0x81] =	vst.msk $0xffff, v0;
	s31 =	sand.u32 $0xF, s20;
	s14 =	sshll.u32 s30, $0x12;
	s15 =	sadd.s32 s15, s16  }
0x11: {  	[tilespmem:s18+$0x0 ss:$0x81] =	vst.msk $0xffff, v1;
	s14 =	sor.u32 $0x400, s14;
	s15 =	sadd.s32 s31, s15  }
0x12: {  	[hbm4b:s15+s14] =	stream.strided.scatter [tilespmem:s17], [sflag:$0x2], $0x2000, s9, s14, $0x20;
	[tilespmem:$0x8080] =	vst v63  }
.LBB1_5:
0x13: {  	s17 =	sadd.s32 $0x1, s10  }
0x14: {  	s14 =	sadd.s32 $0x200, s11;
	s18 =	smov.u32 s11;
	p2 =	sgt.s32 s17, $0x1F  }
0x15: {  	s18 =	smov.u32 @p2 s14  }
0x16: {  	s20 =	smov.u32 s12;
	s14 =	sadd.s32 $0x8, s12;
	p3 =	sgt.s32 s18, $0x3FF  }
0x17: {  	s20 =	smov.u32 @p3 s14  }
0x18: {  	s17 =	simm.s32 @p2 $0x0;
	p2 =	sgt.s32 s20, $0x7  }
0x19: {  	p1 =	slt.u32 s13, $0x2;
	s20 =	smov.u32 @p2 s5;
	p2 =	sne.s32 s13, s8  }
.Ltmp1:
0x1a: {  	s19 =	simm.s32 @!p1 $0x2;
	(pc) =	sbr.rel @!p2 .LBB1_6-.Ltmp1, $4  }
0x1b: {  	s15 =	smov.u32 s10;
	s16 =	smov.u32 s12;
	_ =	swait.ge @!p1 [sflag:s19], $0x2000  }
0x1c: {  	p0 =	por !p0, !p0;
	[sflag:s19] =	ssyncset.done @!p1 $0x0;
	s10 =	smov.u32 s17  }
0x1d: {  	s18 =	smov.u32 @p3 s2;
	s14 =	smov.u32 s11;
	[sflag:s19] =	ssyncadd.s32 @!p1 $0xFFFFE000  }
0x1e: {  	s11 =	smov.u32 s18;
	s13 =	sadd.s32 $0x1, s13;
	s12 =	smov.u32 s20  }
.LBB1_1:
0x1f: {  	p1 =	sge.u32 s13, s7;
	s31 =	sadd.s32 $0xFFFFFFFF, s13  }
0x20: {  	s17 =	sxor.u32 @!p1 $0xFFFFFFFF, s13;
	s18 =	sshll.u32 @!p1 s12, $0x13;
	s19 =	sshll.u32 @!p1 s11, $0x9  }
0x21: {  	s20 =	sshll.u32 @!p1 s10, $0x4;
	s17 =	sshll.u32 @!p1 s17, $0xD;
	s18 =	sadd.s32 @!p1 s4, s18  }
0x22: {  	s20 =	sand.u32 @!p1 $0x1F0, s20;
	s17 =	sand.u32 @!p1 $0x2000, s17;
	s18 =	sadd.s32 @!p1 s19, s18  }
0x23: {  	s19 =	simm.s32 @!p1 $0x40;
	s18 =	sadd.s32 @!p1 s20, s18;
	s20 =	simm.s32 @!p1 $0x1000  }
0x24: {  	[tilespmem:s17], [sflag:$0x1] =	stream.strided.gather @!p1 [hbm4b:s18+s19], $0x2000, s20, s19, $0x38;
	[tilespmem:$0x8080] =	vst v63  }
0x25: {  	p1 =	sge.u32 s31, s7  }
.Ltmp2:
0x26: {  	_ = 	snop;
	(pc) =	sbr.rel @p1 .LBB1_5-.Ltmp2, $1  }
0x27: {  	_ =	sdelay $0x3  }
0x28: {  	s17 =	simm.s32 $0x1  }
0x29: {  	_ =	swait.ge [sflag:s6], $0x2000;
	s17 =	simm.s32 @!p0 $0x0  }
0x2a: {  	[sflag:s6] =	ssyncset.done $0x0;
	s18 =	sshll.u32 s17, $0xD  }
0x2b: {  	[sflag:s6] =	ssyncadd.s32 $0xFFFFE000;
	s21 =	sor.u32 $0x20, s18  }
0x2c: {  	s17 =	smul.u32 $0x8100, s17;
	v3 =	vld [tilespmem:s21+$0x10]  }
0x2d: {  	s30 =	sand.u32 $0x1, s13;
	v2 =	vld [tilespmem:s21+$0xFFFFFFF0]  }
0x2e: {  	s18 =	smul.u32 $0x8100, s30;
	s17 =	sshrl.u32 s17, $0x2;
	v0 =	vld [tilespmem:s21+$0x0]  }
0x2f: {  	v1 =	vld [tilespmem:s21+$0xFFFFFFE0];
	s19 =	sor.u32 $0x4000, s17  }
0x30: {  	s31 =	sshrl.u32 s18, $0x2;
	s18 =	sadd.s32 $0x0, s19  }
0x31: {  	s20 =	simm.s32 $0x4;
	s21 =	sadd.s32 $0x40, s21;
	s17 =	sor.u32 $0x4000, s31;
	[tilespmem:s18+$0x1830 ss:$0x81] =	vst.msk $0xffff, v3  }
.LBB1_3:
0x32: {  	v3 =	vld [tilespmem:s21+$0x10];
	p1 =	sne.s32 s20, $0x1FC;
	[tilespmem:s18+$0x810 ss:$0x81] =	vst.msk $0xffff, v2;
	s22 =	smov.u32 s20;
	s20 =	sadd.s32 $0x4, s20  }
.Ltmp3:
0x33: {  	v2 =	vld [tilespmem:s21+$0xFFFFFFF0];
	[tilespmem:s18+$0x1020 ss:$0x81] =	vst.msk $0xffff, v0;
	(pc) =	sbr.rel @p1 .LBB1_3-.Ltmp3, $4  }
0x34: {  	v0 =	vld [tilespmem:s21+$0x0];
	[tilespmem:s18+$0x0 ss:$0x81] =	vst.msk $0xffff, v1  }
0x35: {  	s18 =	sshra.s32 s22, $0x2;
	v1 =	vld [tilespmem:s21+$0xFFFFFFE0]  }
0x36: {  	s18 =	sadd.s32 s18, s19  }
0x37: {  	s21 =	sadd.s32 $0x40, s21;
	[tilespmem:s18+$0x1830 ss:$0x81] =	vst.msk $0xffff, v3  }
.Ltmp4:
0x38: {  	_ = 	snop;
	(pc) =	sbr.rel .LBB1_4-.Ltmp4, $1  }
0x39: {  	_ =	sdelay $0x3  }
.LBB1_6:
0x3a: {  	_ =	sfence.sel $0x180000  }
0x3b: {  	s2 =	simm.s32 $0x1;
	[bflag:$0x0] =	sbarrier.arrive $0xFFFF  }
0x3c: {  	s31 =	simm.s32 $0x2;
	[sflag:s2] =	ssyncpa.u1 $0x1  }
0x3d: {  	[sflag:s31] =	ssyncpa.u1 $0x1  }
0x3e: {  	p0 =	sne.s32 s0, $0x0;
	_ =	strace $0x90000056  }
0x3f: {  	s0 =	sadd.s32 @!p0 $0x100000, s1;
	[bflag:$0x2] =	sbarrier.arrive $0xFFFF  }
0x40: {  	[sflag:s0] =	ssyncadd.tile.s32 @!p0 $0x1;
	_ =	shalt  }
.Lfunc_end1:
_tile_overlayer_lowered:
.L_overlay_start_2:
0x41: {  	(tag) =	ssettag $0x2  }
0x42: {  	s0 =	rddreg [dreg:$0x0];
	s2 =	stileid.u32  }
0x43: {  	s1 =	rddreg [dreg:$0x1];
	p0 =	sne.s32 s2, $0x0  }
0x44: {  	s3 =	rddreg [dreg:$0x2];
	[bflag:$0x3] =	sbarrier.arrive $0xFFFF;
	s2 =	simm.s32 @!p0 $0x1C01  }
0x45: {  	[timem:s3], [sflag:s2] =	dma.local @!p0 [hbm:s0], s1  }
0x46: {  	s0 =	simm.s32 @!p0 $0x1  }
0x47: {  	_ =	swait.ge @!p0 [sflag:s0], s1  }
0x48: {  	s1 =	ssub.s32 @!p0 $0x0, s1;
	[sflag:s0] =	ssyncset.done @!p0 $0x0  }
0x49: {  	[sflag:s0] =	ssyncadd.s32 @!p0 s1  }
0x4a: {  	[bflag:$0x3] =	sbarrier.arrive $0xFFFF  }
0x4b: {  	_ =	shalt  }

// kernel: sparse-core-data-format-call.2.cloned.1.call-start
scs
called_computation.2_lowered:
.L_overlay_start_0:
0x0: {  	s2 =	sld [smem:$0x3FD9]  }
0x1: {  	s3 =	sld [smem:$0x3FFE];
	_ =	sdelay $0x1  }
0x2: {  	s1 =	srdreg.scid  }
0x3: {  	s0 =	sand.u32 $0x1, s1  }
0x4: {  	s15 =	sshll.u32 s0, $0xA;
	s2 =	sadd.s32 s3, s2  }
0x5: {  	s2 =	sadd.s32 s2, s15  }
0x6: {  	[smem:$0x3FB8] =	sst s2  }
0x7: {  	_ = 	snop  }
0x8: {  	s2 =	sld [smem:$0x3FD0];
	_ =	sdelay $0x2  }
0x9: {  	s16 =	simm.s32 $0xB;
	s4 =	simm.s32 $0x10  }
0xa: {  	[smem:s4], [sflag:s16] =	dma.local [hbm:s2], $0x1  }
0xb: {  	_ =	swait.eq [sflag:s16], $0x1  }
0xc: {  	[sflag:s16] =	ssyncset.done $0x0  }
0xd: {  	[sflag:s16] =	ssyncadd.s32 $0xFFFFFFFF  }
0xe: {  	s17 =	sld [smem:$0x14];
	(tm) =	ssettm $0x1  }
0xf: {  	s18 =	sld [smem:$0x3FFB];
	_ =	sdelay $0x3  }
0x10: {  	_ =	strace s18  }
0x11: {  	s3 =	sld [smem:$0x3FFC];
	_ =	sdelay $0x3  }
0x12: {  	_ =	strace s3  }
0x13: {  	s3 =	sld [smem:$0x3FFD];
	_ =	sdelay $0x3  }
0x14: {  	_ =	strace s3  }
0x15: {  	_ =	strace $0x8FFFFFFF  }
0x16: {  	s19 =	sld [smem:$0x3FDB];
	_ =	sdelay $0x1  }
0x17: {  	s20 =	simm.s32 $_scs_section_size  }
0x18: {  	s5 =	simm.s32 $_size__tile_overlayer_lowered;
	s6 =	simm.s32 $_tile_overlayer_lowered  }
0x19: {  	s23 =	simm.s32 $0x1BFF;
	s22 =	sshll.u32 s6, $0x1;
	s3 =	sadd.s32 s20, s19  }
0x1a: {  	s7 =	simm.s32 $0x0;
	s21 =	sshll.u32 s5, $0x1;
	s5 =	sadd.s32 s22, s3  }
0x1b: {  	[timem:s7], [sflag:s23] =	dma.local [hbm:s5], s21  }
0x1c: {  	_ =	swait.ge [sflag:s23], s21  }
0x1d: {  	s4 =	ssub.s32 $0x0, s21;
	[sflag:s23] =	ssyncset.done $0x0  }
0x1e: {  	[sflag:s23] =	ssyncadd.s32 s4;
	_ =	sdelay $0x1  }
0x1f: {  	s24 =	simm.s32 $0x1B8B  }
0x20: {  	_ =	swait.ge [sflag:s24], $0x1  }
0x21: {  	[sflag:s24] =	ssyncset.done $0x0  }
0x22: {  	s26 =	simm.s32 $0x1B8E;
	s25 =	sld [smem:$0x3FFE];
	[sflag:s24] =	ssyncadd.s32 $0xFFFFFFFF  }
0x23: {  	s27 =	simm.s32 $execute0_lowered;
	[smem:$0x3FD2] =	sst s26  }
0x24: {  	s5 =	sshll.u32 s27, $0x1;
	_ =	strace $0x8000004C;
	[dreg:$0x1] =	wrdreg $0xFFFFFFFF  }
0x25: {  	s28 =	simm.s32 $_size_execute0_lowered;
	s3 =	sadd.s32 s3, s5;
	[dreg:$0x0] =	wrdreg $0x0  }
0x26: {  	s5 =	sshll.u32 s28, $0x1;
	[dreg:$0x2] =	wrdreg s3  }
0x27: {  	[dreg:$0x3] =	wrdreg s5  }
0x28: {  	[dreg:$0x4] =	wrdreg $0xC0  }
0x29: {  	_ =	task [dreg:s7], $0x5FFFF  }
0x2a: {  	[dreg:$0x1] =	wrdreg $0xFFFFFFFF  }
0x2b: {  	[dreg:$0x0] =	wrdreg $0x60  }
0x2c: {  	[dreg:$0x2] =	wrdreg s17  }
0x2d: {  	[dreg:$0x3] =	wrdreg s25  }
0x2e: {  	[dreg:$0x4] =	wrdreg $0x9  }
0x2f: {  	_ =	task.clear_ibuf [dreg:s7], $0x5FFFF;
	_ =	strace $0x9000004C  }
0x30: {  	s29 =	simm.s32 $0x9;
	_ =	strace $0x8000004E  }
0x31: {  	_ =	swait.ge [sflag:s29], $0x1  }
0x32: {  	[sflag:s29] =	ssyncadd.s32 $0xFFFFFFFF  }
0x33: {  	_ =	strace $0x9000004E  }
0x34: {  	_ =	sfence  }
0x35: {  	s30 =	sld [smem:$0x0];
	_ =	sdelay $0x2  }
0x36: {  	s31 =	sshll.u32 s1, $0xD;
	s1 =	sshrl.u32 s1, $0x2  }
0x37: {  	s3 =	sand.u32 $0x4000, s31;
	s1 =	sadd.s32 s1, s30  }
0x38: {  	s0 =	sor.u32 s3, s0;
	s1 =	sshll.u32 s1, $0x11  }
0x39: {  	s0 =	sor.u32 s1, s0  }
0x3a: {  	s0 =	sadd.s32 $0x8F2B, s0  }
0x3b: {  	[sflag:s0] =	ssyncadd.remote.s32 $0x1  }
0x3c: {  	_ =	sfence.sel $0xFFFF  }
0x3d: {  	[dreg:$0x0] =	wrdreg $0xFFFFFFFF;
	(pc) =	sbr.abs _section_cstart, $3  }
0x3e: {  	[dreg:$0x1] =	wrdreg $0xFFFFFFFF  }
0x3f: {  	_ =	task.clear_ibuf [dreg:s7], $0x2FFFF;
	_ =	strace $0x9FFFFFFF  }
0x40: {  	(tm) =	ssettm $0x7FFFFFFF  }
0x41: {  	_ =	shalt  }
tec
execute0_lowered:
.L_overlay_start_1:
0x0: {  	(tag) =	ssettag $0x1  }
0x1: {  	s2 =	rddreg [dreg:$0x0]  }
0x2: {  	s3 =	rddreg [dreg:$0x1]  }
0x3: {  	s1 =	srdreg.scid;
	s0 =	rddreg [dreg:$0x2]  }
0x4: {  	_ =	strace $0x8000004D;
	s5 =	simm.s32 $0x1;
	s8 =	simm.s32 $0x2  }
0x5: {  	s16 =	simm.s32 $0x0;
	p0 =	por $0x0, $0x0;
	s18 =	simm.s32 $0x0  }
0x6: {  	s17 =	simm.s32 $0x0;
	s9 =	simm.s32 $0x0;
	s11 =	simm.s32 $0x0  }
0x7: {  	s12 =	simm.s32 $0x0;
	s13 =	simm.s32 $0x0;
	s4 =	sand.u32 $0x1, s1  }
.Ltmp0:
0x8: {  	s15 =	stileid.u32;
	s6 =	ssub.s32 $0x8, s4;
	(pc) =	sbr.rel .LBB1_1-.Ltmp0, $4  }
0x9: {  	s10 =	simm.s32 $0x0;
	s1 =	stileid.u32;
	s7 =	sshrl.u32 s6, $0x1  }
0xa: {  	[sflag:s5] =	ssyncpa.u1 $0x0;
	s6 =	ssub.s32 s6, s7;
	s7 =	sadd.s32 s4, s7  }
0xb: {  	[sflag:s8] =	ssyncpa.u1 $0x0;
	s8 =	simm.s32 $0x4000;
	s7 =	sshll.u32 s7, $0x3  }
0xc: {  	s14 =	smov.u32 s4;
	s6 =	sshll.u32 s6, $0x3;
	s7 =	ssub.s32 $0x42, s7  }
.LBB1_4:
0xd: {  	p1 =	sgt.s32 s11, $0x7;
	s24 =	smov.u32 s11;
	s25 =	sshra.s32 s11, $0x1F  }
0xe: {  	s23 =	sshra.s32 s23, $0x2;
	s26 =	sshra.s32 s12, $0x1F;
	s27 =	sshra.s32 s9, $0x1F  }
0xf: {  	s24 =	simm.s32 @!p1 $0x7;
	s25 =	sand.u32 s25, s11;
	s22 =	sadd.s32 s23, s22  }
0x10: {  	v5 =	vld [tilespmem:s20+$0xFFFFFFD0];
	p1 =	sgt.s32 s12, $0xF;
	s29 =	sand.u32 s26, s12;
	s31 =	sand.u32 s27, s9  }
0x11: {  	v58 =	vld [tilespmem:s20+$0xFFFFFFE0];
	s26 =	sand.u32 $0x78, s9;
	s27 =	sshll.u32 s12, $0x7;
	s24 =	ssub.s32 s24, s25  }
0x12: {  	[tilespmem:s21+$0x2040 ss:$0x81] =	vst.msk $0xffff, v4;
	v59 =	vld [tilespmem:s20+$0xFFFFFFF0];
	s25 =	smov.u32 s12;
	s28 =	sadd.s32 $0xFFFFFFF9, s24;
	s24 =	ssub.s32 $0x8, s24  }
0x13: {  	[tilespmem:s21+$0x2850 ss:$0x81] =	vst.msk $0xffff, v3;
	v60 =	vld [tilespmem:s20+$0x0];
	s25 =	simm.s32 @!p1 $0xF;
	s24 =	smul.u32 $0x50, s24;
	p1 =	sgt.s32 s28, $0x0  }
0x14: {  	[tilespmem:s21+$0x3060 ss:$0x81] =	vst.msk $0xffff, v2;
	v61 =	vld [tilespmem:s20+$0x10];
	s23 =	ssub.s32 s25, s29;
	s25 =	smov.u32 s9;
	s29 =	sand.u32 $0x380, s27  }
0x15: {  	[tilespmem:s21+$0x0 ss:$0x81] =	vst.msk $0xffff, v1;
	v62 =	vld [tilespmem:s20+$0x20];
	s30 =	sadd.s32 $0xFFFFFFF1, s23;
	s24 =	simm.s32 @p1 $0x0;
	p1 =	sgt.s32 s9, $0x380  }
0x16: {  	v63 =	vld [tilespmem:s20+$0xFFFFFFC0];
	[tilespmem:s22+$0x3870 ss:$0x81] =	vst.msk $0xffff, v0;
	s21 =	ssub.s32 $0x10, s23;
	s20 =	sor.u32 s29, s26;
	s25 =	simm.s32 @!p1 $0x380  }
0x17: {  	[tilespmem:s22+$0x810 ss:$0x81] =	vst.msk $0xffff, v5;
	p1 =	sgt.s32 s30, $0x0;
	s30 =	sand.u32 $0x400, s27;
	s23 =	ssub.s32 s25, s31  }
0x18: {  	[tilespmem:s22+$0x1020 ss:$0x81] =	vst.msk $0xffff, v58;
	s21 =	simm.s32 @p1 $0x0;
	s31 =	smul.u32 $0x28000, s11;
	s28 =	sadd.s32 $0xFFFFFC80, s23  }
0x19: {  	[tilespmem:s22+$0x1830 ss:$0x81] =	vst.msk $0xffff, v59;
	s21 =	smul.u32 s21, s24;
	s23 =	ssub.s32 $0x400, s23;
	p1 =	sgt.s32 s28, $0x7F  }
0x1a: {  	[tilespmem:s22+$0x2040 ss:$0x81] =	vst.msk $0xffff, v60;
	s20 =	sshrl.u32 s20, $0x3;
	s24 =	sadd.s32 s9, s30;
	s23 =	simm.s32 @p1 $0x0  }
0x1b: {  	[tilespmem:s22+$0x2850 ss:$0x81] =	vst.msk $0xffff, v61;
	s27 =	sadd.s32 s3, s31;
	s28 =	sand.u32 $0x7, s9;
	s21 =	smul.u32 s23, s21  }
0x1c: {  	[tilespmem:s22+$0x3060 ss:$0x81] =	vst.msk $0xffff, v62;
	s29 =	sand.u32 $0x780, s24;
	s20 =	sadd.s32 s20, s27;
	s30 =	sshll.u32 s28, $0x12  }
0x1d: {  	[tilespmem:s22+$0x0 ss:$0x81] =	vst.msk $0xffff, v63;
	s20 =	sadd.s32 s29, s20;
	s31 =	sor.u32 $0x80, s30;
	s21 =	sand.u32 $0x3FFFFFF0, s21  }
0x1e: {  	[hbm4b:s20+s31] =	stream.strided.scatter [tilespmem:s19], [sflag:$0x2], s21, s8, s31, $0x20;
	[tilespmem:$0x10100] =	vst v63  }
.LBB1_5:
0x1f: {  	p1 =	slt.u32 s10, $0x2  }
0x20: {  	s19 =	smov.u32 s18;
	p2 =	sgt.s32 @!p1 s18, $0x7;
	s20 =	sshra.s32 @!p1 s18, $0x1F  }
0x21: {  	p3 =	sgt.s32 @!p1 s16, $0x380;
	p2 =	por !p2, p1;
	s18 =	sand.u32 @!p1 s20, s18  }
0x22: {  	s20 =	sshra.s32 @!p1 s17, $0x1F;
	s19 =	simm.s32 @p2 $0x7;
	p2 =	sgt.s32 @!p1 s17, $0xF  }
0x23: {  	s18 =	ssub.s32 @!p1 s19, s18;
	p2 =	por !p2, p1;
	s19 =	smov.u32 s17  }
0x24: {  	p3 =	por !p3, p1;
	s17 =	sand.u32 @!p1 s20, s17;
	s19 =	simm.s32 @p2 $0xF  }
0x25: {  	s20 =	sadd.s32 @!p1 $0xFFFFFFF9, s18;
	s18 =	ssub.s32 @!p1 $0x8, s18;
	s17 =	ssub.s32 @!p1 s19, s17  }
0x26: {  	p2 =	sgt.s32 @!p1 s20, $0x0;
	s20 =	smov.u32 s16;
	s19 =	sadd.s32 @!p1 $0xFFFFFFF1, s17  }
0x27: {  	s20 =	simm.s32 @p3 $0x380;
	p3 =	sgt.s32 @!p1 s19, $0x0;
	s19 =	sshra.s32 @!p1 s16, $0x1F  }
0x28: {  	s18 =	smul.u32 @!p1 $0x50, s18;
	p2 =	por !p2, p1;
	s16 =	sand.u32 @!p1 s19, s16  }
0x29: {  	s17 =	ssub.s32 @!p1 $0x10, s17;
	p3 =	por !p3, p1;
	s16 =	ssub.s32 @!p1 s20, s16  }
0x2a: {  	s18 =	simm.s32 @!p2 $0x0;
	s17 =	simm.s32 @!p3 $0x0;
	s19 =	sadd.s32 @!p1 $0xFFFFFC80, s16  }
0x2b: {  	s20 =	smov.u32 s14;
	s17 =	smul.u32 @!p1 s17, s18;
	p2 =	sgt.s32 @!p1 s19, $0x7F  }
0x2c: {  	s16 =	ssub.s32 @!p1 $0x400, s16;
	s19 =	sadd.s32 $0x80, s13;
	p2 =	por !p2, p1  }
0x2d: {  	s18 =	sadd.s32 $0x2, s14;
	s16 =	simm.s32 @!p2 $0x0;
	p2 =	sgt.s32 s19, $0x3FF  }
0x2e: {  	s21 =	smov.u32 s15;
	s20 =	smov.u32 @p2 s18  }
0x2f: {  	s16 =	smul.u32 @!p1 s16, s17;
	s17 =	sadd.s32 $0x10, s15;
	p3 =	sgt.s32 s20, $0x7  }
0x30: {  	s10 =	sadd.s32 $0x1, s10;
	p0 =	por !p0, !p0;
	s21 =	smov.u32 @p3 s17  }
0x31: {  	s22 =	simm.s32 @!p1 $0x2;
	s19 =	simm.s32 @p2 $0x0;
	p2 =	sgt.s32 s21, $0xF  }
0x32: {  	s18 =	smov.u32 s11;
	s21 =	smov.u32 @p2 s1;
	p2 =	sne.s32 s10, s7  }
.Ltmp1:
0x33: {  	s11 =	smov.u32 s14;
	s16 =	sand.u32 @!p1 $0x3FFFFFF0, s16;
	(pc) =	sbr.rel @!p2 .LBB1_6-.Ltmp1, $4  }
0x34: {  	s20 =	smov.u32 @p3 s4;
	s17 =	smov.u32 s12;
	s12 =	smov.u32 s15  }
0x35: {  	_ =	swait.ge @!p1 [sflag:s22], s16;
	s23 =	ssub.s32 @!p1 $0x0, s16;
	s16 =	smov.u32 s9  }
0x36: {  	s9 =	smov.u32 s13;
	s13 =	smov.u32 s19;
	[sflag:s22] =	ssyncset.done @!p1 $0x0  }
0x37: {  	s14 =	smov.u32 s20;
	[sflag:s22] =	ssyncadd.s32 @!p1 s23;
	s15 =	smov.u32 s21  }
.LBB1_1:
0x38: {  	p1 =	sge.u32 s10, s6  }
0x39: {  	s31 =	sadd.s32 $0xFFFFFFFF, s10;
	s19 =	sxor.u32 @!p1 $0xFFFFFFFF, s10;
	s20 =	sshll.u32 @!p1 s15, $0x11  }
0x3a: {  	s21 =	sshll.u32 @!p1 s14, $0xE;
	s22 =	sshll.u32 @!p1 s13, $0x4;
	s20 =	sadd.s32 @!p1 s2, s20  }
0x3b: {  	s19 =	sshll.u32 @!p1 s19, $0xE;
	s22 =	sand.u32 @!p1 $0x3FF0, s22;
	s20 =	sadd.s32 @!p1 s21, s20  }
0x3c: {  	s19 =	sand.u32 @!p1 $0x4000, s19;
	s21 =	simm.s32 @!p1 $0x0;
	s20 =	sadd.s32 @!p1 s22, s20  }
0x3d: {  	[tilespmem:s19], [sflag:$0x1] =	stream.linear.gather @!p1 [hbm4b:s20+s21], $0x4000, $0x38;
	[tilespmem:$0x10100] =	vst v63  }
0x3e: {  	p1 =	sge.u32 s31, s6  }
.Ltmp2:
0x3f: {  	_ = 	snop;
	(pc) =	sbr.rel @p1 .LBB1_5-.Ltmp2, $1  }
0x40: {  	_ =	sdelay $0x3  }
0x41: {  	s19 =	simm.s32 $0x1  }
0x42: {  	_ =	swait.ge [sflag:s5], $0x4000;
	s19 =	simm.s32 @!p0 $0x0  }
0x43: {  	[sflag:s5] =	ssyncset.done $0x0;
	s20 =	sshll.u32 s19, $0xE  }
0x44: {  	[sflag:s5] =	ssyncadd.s32 $0xFFFFC000;
	s20 =	sor.u32 $0x40, s20  }
0x45: {  	s19 =	smul.u32 $0x10200, s19;
	v0 =	vld [tilespmem:s20+$0x30]  }
0x46: {  	v1 =	vld [tilespmem:s20+$0xFFFFFFD0]  }
0x47: {  	s19 =	sshrl.u32 s19, $0x2;
	v5 =	vld [tilespmem:s20+$0xFFFFFFE0]  }
0x48: {  	v6 =	vld [tilespmem:s20+$0xFFFFFFF0];
	s22 =	sor.u32 $0x8000, s19  }
0x49: {  	s31 =	sand.u32 $0x1, s10;
	v4 =	vld [tilespmem:s20+$0x0];
	s21 =	sadd.s32 $0x0, s22  }
0x4a: {  	v3 =	vld [tilespmem:s20+$0x10];
	s19 =	smul.u32 $0x10200, s31;
	[tilespmem:s21+$0x3870 ss:$0x81] =	vst.msk $0xffff, v0  }
0x4b: {  	v2 =	vld [tilespmem:s20+$0x20];
	[tilespmem:s21+$0x810 ss:$0x81] =	vst.msk $0xffff, v1  }
0x4c: {  	s19 =	sshrl.u32 s19, $0x2;
	v1 =	vld [tilespmem:s20+$0xFFFFFFC0];
	[tilespmem:s21+$0x1020 ss:$0x81] =	vst.msk $0xffff, v5;
	s20 =	sadd.s32 $0x80, s20  }
0x4d: {  	s23 =	simm.s32 $0x4;
	s24 =	simm.s32 $0x8;
	s19 =	sor.u32 $0x8000, s19;
	[tilespmem:s21+$0x1830 ss:$0x81] =	vst.msk $0xffff, v6;
	v0 =	vld [tilespmem:s20+$0x30]  }
.LBB1_3:
0x4e: {  	p1 =	sne.s32 s24, $0x1FC;
	v5 =	vld [tilespmem:s20+$0xFFFFFFD0];
	[tilespmem:s21+$0x2040 ss:$0x81] =	vst.msk $0xffff, v4  }
0x4f: {  	v6 =	vld [tilespmem:s20+$0xFFFFFFE0];
	[tilespmem:s21+$0x2850 ss:$0x81] =	vst.msk $0xffff, v3  }
0x50: {  	s25 =	sshra.s32 s23, $0x2;
	s23 =	smov.u32 s24;
	v7 =	vld [tilespmem:s20+$0xFFFFFFF0];
	[tilespmem:s21+$0x3060 ss:$0x81] =	vst.msk $0xffff, v2  }
.Ltmp3:
0x51: {  	v4 =	vld [tilespmem:s20+$0x0];
	[tilespmem:s21+$0x0 ss:$0x81] =	vst.msk $0xffff, v1;
	s21 =	sadd.s32 s25, s22;
	(pc) =	sbr.rel @p1 .LBB1_3-.Ltmp3, $4  }
0x52: {  	v3 =	vld [tilespmem:s20+$0x10];
	[tilespmem:s21+$0x3870 ss:$0x81] =	vst.msk $0xffff, v0  }
0x53: {  	[tilespmem:s21+$0x810 ss:$0x81] =	vst.msk $0xffff, v5;
	v2 =	vld [tilespmem:s20+$0x20]  }
0x54: {  	v1 =	vld [tilespmem:s20+$0xFFFFFFC0];
	[tilespmem:s21+$0x1020 ss:$0x81] =	vst.msk $0xffff, v6;
	s20 =	sadd.s32 $0x80, s20  }
0x55: {  	s24 =	sadd.s32 $0x4, s24;
	v0 =	vld [tilespmem:s20+$0x30];
	[tilespmem:s21+$0x1830 ss:$0x81] =	vst.msk $0xffff, v7  }
.Ltmp4:
0x56: {  	_ = 	snop;
	(pc) =	sbr.rel .LBB1_4-.Ltmp4, $1  }
0x57: {  	_ =	sdelay $0x3  }
.LBB1_6:
0x58: {  	_ =	sfence.sel $0x180000  }
0x59: {  	s2 =	simm.s32 $0x1;
	[bflag:$0x0] =	sbarrier.arrive $0xFFFF  }
0x5a: {  	s31 =	simm.s32 $0x2;
	[sflag:s2] =	ssyncpa.u1 $0x1  }
0x5b: {  	[sflag:s31] =	ssyncpa.u1 $0x1  }
0x5c: {  	p0 =	sne.s32 s1, $0x0;
	_ =	strace $0x9000004D  }
0x5d: {  	s0 =	sadd.s32 @!p0 $0x100000, s0;
	[bflag:$0x2] =	sbarrier.arrive $0xFFFF  }
0x5e: {  	[sflag:s0] =	ssyncadd.tile.s32 @!p0 $0x1;
	_ =	shalt  }
.Lfunc_end1:
_tile_overlayer_lowered:
.L_overlay_start_2:
0x5f: {  	(tag) =	ssettag $0x2  }
0x60: {  	s0 =	rddreg [dreg:$0x0];
	s2 =	stileid.u32  }
0x61: {  	s1 =	rddreg [dreg:$0x1];
	p0 =	sne.s32 s2, $0x0  }
0x62: {  	s3 =	rddreg [dreg:$0x2];
	[bflag:$0x3] =	sbarrier.arrive $0xFFFF;
	s2 =	simm.s32 @!p0 $0x1C01  }
0x63: {  	[timem:s3], [sflag:s2] =	dma.local @!p0 [hbm:s0], s1  }
0x64: {  	s0 =	simm.s32 @!p0 $0x1  }
0x65: {  	_ =	swait.ge @!p0 [sflag:s0], s1  }
0x66: {  	s1 =	ssub.s32 @!p0 $0x0, s1;
	[sflag:s0] =	ssyncset.done @!p0 $0x0  }
0x67: {  	[sflag:s0] =	ssyncadd.s32 @!p0 s1  }
0x68: {  	[bflag:$0x3] =	sbarrier.arrive $0xFFFF  }
0x69: {  	_ =	shalt  }

// kernel: sparse-core-data-format-call.3.cloned.1.call-start
scs
called_computation.3_lowered:
.L_overlay_start_0:
0x0: {  	s1 =	sld [smem:$0x3FD9]  }
0x1: {  	s2 =	sld [smem:$0x3FFE];
	_ =	sdelay $0x1  }
0x2: {  	s3 =	srdreg.scid  }
0x3: {  	s0 =	sand.u32 $0x1, s3  }
0x4: {  	s17 =	sshll.u32 s0, $0xA;
	s1 =	sadd.s32 s2, s1  }
0x5: {  	s1 =	sadd.s32 s1, s17  }
0x6: {  	[smem:$0x3FB8] =	sst s1  }
0x7: {  	_ = 	snop  }
0x8: {  	(tm) =	ssettm $0x1  }
0x9: {  	s18 =	sld [smem:$0x3FFB];
	_ =	sdelay $0x3  }
0xa: {  	_ =	strace s18  }
0xb: {  	s1 =	sld [smem:$0x3FFC];
	_ =	sdelay $0x3  }
0xc: {  	_ =	strace s1  }
0xd: {  	s1 =	sld [smem:$0x3FFD];
	_ =	sdelay $0x3  }
0xe: {  	_ =	strace s1  }
0xf: {  	_ =	strace $0x8FFFFFFF  }
0x10: {  	s19 =	sld [smem:$0x3FDB];
	_ =	sdelay $0x1  }
0x11: {  	s20 =	simm.s32 $_scs_section_size  }
0x12: {  	s4 =	simm.s32 $_size__tile_overlayer_lowered;
	s5 =	simm.s32 $_tile_overlayer_lowered  }
0x13: {  	s23 =	simm.s32 $0x1BFF;
	s22 =	sshll.u32 s5, $0x1;
	s1 =	sadd.s32 s20, s19  }
0x14: {  	s6 =	simm.s32 $0x0;
	s21 =	sshll.u32 s4, $0x1;
	s4 =	sadd.s32 s22, s1  }
0x15: {  	[timem:s6], [sflag:s23] =	dma.local [hbm:s4], s21  }
0x16: {  	_ =	swait.ge [sflag:s23], s21  }
0x17: {  	s2 =	ssub.s32 $0x0, s21;
	[sflag:s23] =	ssyncset.done $0x0  }
0x18: {  	[sflag:s23] =	ssyncadd.s32 s2;
	_ =	sdelay $0x1  }
0x19: {  	s24 =	simm.s32 $0x1B8B  }
0x1a: {  	_ =	swait.ge [sflag:s24], $0x1  }
0x1b: {  	[sflag:s24] =	ssyncset.done $0x0  }
0x1c: {  	s26 =	simm.s32 $0x1B8E;
	s25 =	sld [smem:$0x3FFE];
	[sflag:s24] =	ssyncadd.s32 $0xFFFFFFFF  }
0x1d: {  	s27 =	simm.s32 $execute0_lowered;
	[smem:$0x3FD2] =	sst s26  }
0x1e: {  	s4 =	sshll.u32 s27, $0x1;
	_ =	strace $0x80000046;
	[dreg:$0x1] =	wrdreg $0xFFFFFFFF  }
0x1f: {  	s28 =	simm.s32 $_size_execute0_lowered;
	s1 =	sadd.s32 s1, s4;
	[dreg:$0x0] =	wrdreg $0x0  }
0x20: {  	s4 =	sshll.u32 s28, $0x1;
	[dreg:$0x2] =	wrdreg s1  }
0x21: {  	[dreg:$0x3] =	wrdreg s4  }
0x22: {  	[dreg:$0x4] =	wrdreg $0xC0  }
0x23: {  	_ =	task [dreg:s6], $0x5FFFF  }
0x24: {  	[dreg:$0x1] =	wrdreg $0xFFFFFFFF  }
0x25: {  	[dreg:$0x0] =	wrdreg $0x60  }
0x26: {  	[dreg:$0x2] =	wrdreg s25  }
0x27: {  	[dreg:$0x3] =	wrdreg $0x9  }
0x28: {  	_ =	task.clear_ibuf [dreg:s6], $0x4FFFF;
	_ =	strace $0x90000046  }
0x29: {  	s29 =	simm.s32 $0x9;
	_ =	strace $0x80000048  }
0x2a: {  	_ =	swait.ge [sflag:s29], $0x1  }
0x2b: {  	[sflag:s29] =	ssyncadd.s32 $0xFFFFFFFF  }
0x2c: {  	_ =	strace $0x90000048  }
0x2d: {  	_ =	sfence  }
0x2e: {  	s30 =	sld [smem:$0x0];
	_ =	sdelay $0x2  }
0x2f: {  	s31 =	sshll.u32 s3, $0xD;
	s3 =	sshrl.u32 s3, $0x2  }
0x30: {  	s2 =	sand.u32 $0x4000, s31;
	s1 =	sadd.s32 s3, s30  }
0x31: {  	s0 =	sor.u32 s2, s0;
	s1 =	sshll.u32 s1, $0x11  }
0x32: {  	s0 =	sor.u32 s1, s0  }
0x33: {  	s0 =	sadd.s32 $0x8F2B, s0  }
0x34: {  	[sflag:s0] =	ssyncadd.remote.s32 $0x1  }
0x35: {  	_ =	sfence.sel $0xFFFF  }
0x36: {  	[dreg:$0x0] =	wrdreg $0xFFFFFFFF;
	(pc) =	sbr.abs _section_cstart, $3  }
0x37: {  	[dreg:$0x1] =	wrdreg $0xFFFFFFFF  }
0x38: {  	_ =	task.clear_ibuf [dreg:s6], $0x2FFFF;
	_ =	strace $0x9FFFFFFF  }
0x39: {  	(tm) =	ssettm $0x7FFFFFFF  }
tec
execute0_lowered:
.L_overlay_start_1:
0x0: {  	(tag) =	ssettag $0x1  }
0x1: {  	s0 =	stileid.u32  }
0x2: {  	s1 =	srdreg.scid;
	s3 =	rddreg [dreg:$0x0]  }
0x3: {  	s6 =	simm.s32 $0x1;
	s8 =	simm.s32 $0x2;
	s15 =	simm.s32 $0x0  }
0x4: {  	s9 =	simm.s32 $0x4000;
	s2 =	sshll.u32 s0, $0x4;
	s1 =	sshll.u32 s1, $0x8  }
0x5: {  	s18 =	simm.s32 $0x0;
	s16 =	simm.s32 $0x0;
	s1 =	sor.u32 s2, s1  }
0x6: {  	s17 =	simm.s32 $0x0;
	s10 =	simm.s32 $0x0;
	s2 =	sand.u32 $0x180, s1  }
0x7: {  	s11 =	simm.s32 $0x0;
	s14 =	simm.s32 $0x0;
	s4 =	ssub.s32 $0x400, s2  }
0x8: {  	s1 =	rddreg [dreg:$0x1];
	_ =	strace $0x80000047;
	s5 =	sand.u32 $0x180, s4  }
.Ltmp0:
0x9: {  	s12 =	smov.u32 s2;
	p0 =	sne.s32 s5, $0x0;
	(pc) =	sbr.rel .LBB1_1-.Ltmp0, $4  }
0xa: {  	s7 =	sshrl.u32 s4, $0x9;
	s5 =	simm.s32 $0x1;
	s6 =	simm.s32 @!p0 $0x0  }
0xb: {  	s4 =	sadd.s32 $0x1000000, s3;
	[sflag:s5] =	ssyncpa.u1 $0x0;
	s6 =	sadd.s32 s6, s7  }
0xc: {  	p0 =	por $0x0, $0x0;
	s7 =	sand.u32 $0x7, s0;
	s6 =	sshll.u32 s6, $0x7  }
0xd: {  	[sflag:s8] =	ssyncpa.u1 $0x0;
	s13 =	smov.u32 s7;
	s8 =	sor.u32 $0x1, s6  }
.LBB1_4:
0xe: {  	v5 =	vld [tilespmem:s21+$0xFFFFFFD0];
	[tilespmem:s22+$0x2040 ss:$0x81] =	vst.msk $0xffff, v1  }
0xf: {  	v58 =	vld [tilespmem:s21+$0xFFFFFFE0];
	[tilespmem:s22+$0x2850 ss:$0x81] =	vst.msk $0xffff, v2  }
0x10: {  	s23 =	sshra.s32 s23, $0x2;
	v59 =	vld [tilespmem:s21+$0xFFFFFFF0];
	[tilespmem:s22+$0x3060 ss:$0x81] =	vst.msk $0xffff, v3  }
0x11: {  	v60 =	vld [tilespmem:s21+$0x0];
	[tilespmem:s22+$0x0 ss:$0x81] =	vst.msk $0xffff, v0;
	s20 =	sadd.s32 s23, s20  }
0x12: {  	v61 =	vld [tilespmem:s21+$0x10];
	s25 =	sand.u32 $0x78, s16;
	[tilespmem:s20+$0x3870 ss:$0x81] =	vst.msk $0xffff, v4  }
0x13: {  	v62 =	vld [tilespmem:s21+$0x20];
	s26 =	sshll.u32 s18, $0xA;
	s24 =	sshll.u32 s16, $0x3;
	s27 =	sshll.u32 s18, $0x7;
	[tilespmem:s20+$0x810 ss:$0x81] =	vst.msk $0xffff, v5  }
0x14: {  	v63 =	vld [tilespmem:s21+$0xFFFFFFC0];
	s17 =	sshll.u32 s17, $0x15;
	s15 =	sshll.u32 s15, $0xB;
	s30 =	sand.u32 $0x7, s16;
	[tilespmem:s20+$0x1020 ss:$0x81] =	vst.msk $0xffff, v58  }
0x15: {  	s28 =	sand.u32 $0x2000, s26;
	s29 =	sand.u32 $0x3C00, s24;
	s18 =	sand.u32 $0x380, s27;
	[tilespmem:s20+$0x1830 ss:$0x81] =	vst.msk $0xffff, v59  }
0x16: {  	s17 =	sadd.s32 s3, s17;
	s21 =	sadd.s32 s29, s28;
	s18 =	sor.u32 s25, s18;
	[tilespmem:s20+$0x2040 ss:$0x81] =	vst.msk $0xffff, v60  }
0x17: {  	s15 =	sadd.s32 s15, s17;
	s21 =	sshrl.u32 s21, $0x3;
	s18 =	sshrl.u32 s18, $0x3;
	[tilespmem:s20+$0x2850 ss:$0x81] =	vst.msk $0xffff, v61  }
0x18: {  	s16 =	sshll.u32 s30, $0x12;
	s31 =	sand.u32 $0x780, s21;
	s15 =	sadd.s32 s18, s15;
	[tilespmem:s20+$0x3060 ss:$0x81] =	vst.msk $0xffff, v62  }
0x19: {  	s16 =	sor.u32 $0x80, s16;
	[tilespmem:s20+$0x0 ss:$0x81] =	vst.msk $0xffff, v63;
	s15 =	sadd.s32 s31, s15  }
0x1a: {  	[hbm4b:s15+s16] =	stream.strided.scatter [tilespmem:s19], [sflag:$0x2], $0x4000, s9, s16, $0x20;
	[tilespmem:$0x10100] =	vst v63  }
.LBB1_5:
0x1b: {  	s19 =	sadd.s32 $0x80, s10  }
0x1c: {  	s15 =	simm.s32 $0x1;
	p2 =	sgt.s32 s19, $0x3FF  }
0x1d: {  	s15 =	simm.s32 @!p2 $0x0  }
0x1e: {  	s20 =	sadd.s32 s15, s11  }
0x1f: {  	s21 =	smov.u32 s12;
	s15 =	sadd.s32 $0x200, s12;
	p3 =	sgt.s32 s20, $0xF  }
0x20: {  	s21 =	smov.u32 @p3 s15  }
0x21: {  	s22 =	smov.u32 s13;
	s15 =	sadd.s32 $0x8, s13;
	p4 =	sgt.s32 s21, $0x3FF  }
0x22: {  	p1 =	slt.u32 s14, $0x2;
	s22 =	smov.u32 @p4 s15  }
0x23: {  	s18 =	smov.u32 s11;
	s19 =	simm.s32 @p2 $0x0;
	p2 =	sgt.s32 s22, $0x7  }
0x24: {  	s23 =	simm.s32 @!p1 $0x2;
	s22 =	smov.u32 @p2 s7;
	p2 =	sne.s32 s14, s8  }
.Ltmp1:
0x25: {  	s16 =	smov.u32 s12;
	_ =	swait.ge @!p1 [sflag:s23], $0x4000;
	(pc) =	sbr.rel @!p2 .LBB1_6-.Ltmp1, $4  }
0x26: {  	s17 =	smov.u32 s13;
	[sflag:s23] =	ssyncset.done @!p1 $0x0;
	s20 =	simm.s32 @p3 $0x0  }
0x27: {  	p0 =	por !p0, !p0;
	[sflag:s23] =	ssyncadd.s32 @!p1 $0xFFFFC000;
	s11 =	smov.u32 s20  }
0x28: {  	s21 =	smov.u32 @p4 s2;
	s15 =	smov.u32 s10;
	s10 =	smov.u32 s19  }
0x29: {  	s12 =	smov.u32 s21;
	s14 =	sadd.s32 $0x1, s14;
	s13 =	smov.u32 s22  }
.LBB1_1:
0x2a: {  	p1 =	sge.u32 s14, s6;
	s31 =	sadd.s32 $0xFFFFFFFF, s14  }
0x2b: {  	s19 =	sxor.u32 @!p1 $0xFFFFFFFF, s14;
	s20 =	sshll.u32 @!p1 s11, $0x7;
	s21 =	sand.u32 @!p1 $0x78, s10  }
0x2c: {  	s23 =	sshll.u32 @!p1 s12, $0xB;
	s19 =	sshll.u32 @!p1 s19, $0xE;
	s22 =	sand.u32 @!p1 $0x380, s20  }
0x2d: {  	s20 =	sand.u32 @!p1 $0x400, s20;
	s21 =	sor.u32 @!p1 s21, s22;
	s22 =	sshll.u32 @!p1 s13, $0x15  }
0x2e: {  	s19 =	sand.u32 @!p1 $0x4000, s19;
	s20 =	sadd.s32 @!p1 s10, s20;
	s22 =	sadd.s32 @!p1 s4, s22  }
0x2f: {  	s21 =	sshrl.u32 @!p1 s21, $0x3;
	s22 =	sadd.s32 @!p1 s23, s22;
	s23 =	sand.u32 @!p1 $0x7, s10  }
0x30: {  	s20 =	sand.u32 @!p1 $0x780, s20;
	s21 =	sadd.s32 @!p1 s21, s22;
	s22 =	sshll.u32 @!p1 s23, $0x12  }
0x31: {  	s20 =	sadd.s32 @!p1 s20, s21;
	s21 =	sor.u32 @!p1 $0x80, s22;
	s22 =	simm.s32 @!p1 $0x4000  }
0x32: {  	[tilespmem:s19], [sflag:$0x1] =	stream.strided.gather @!p1 [hbm4b:s20+s21], $0x4000, s22, s21, $0x38;
	[tilespmem:$0x10100] =	vst v63  }
0x33: {  	p1 =	sge.u32 s31, s6  }
.Ltmp2:
0x34: {  	_ = 	snop;
	(pc) =	sbr.rel @p1 .LBB1_5-.Ltmp2, $1  }
0x35: {  	_ =	sdelay $0x3  }
0x36: {  	s19 =	simm.s32 $0x1  }
0x37: {  	_ =	swait.ge [sflag:s5], $0x4000;
	s19 =	simm.s32 @!p0 $0x0  }
0x38: {  	[sflag:s5] =	ssyncset.done $0x0;
	s20 =	sshll.u32 s19, $0xE  }
0x39: {  	[sflag:s5] =	ssyncadd.s32 $0xFFFFC000;
	s21 =	sor.u32 $0x40, s20  }
0x3a: {  	s19 =	smul.u32 $0x10200, s19;
	v0 =	vld [tilespmem:s21+$0x30]  }
0x3b: {  	v3 =	vld [tilespmem:s21+$0xFFFFFFD0]  }
0x3c: {  	s19 =	sshrl.u32 s19, $0x2;
	v4 =	vld [tilespmem:s21+$0xFFFFFFE0]  }
0x3d: {  	v5 =	vld [tilespmem:s21+$0xFFFFFFF0];
	s20 =	sor.u32 $0x8000, s19  }
0x3e: {  	s31 =	sand.u32 $0x1, s14;
	v1 =	vld [tilespmem:s21+$0x0];
	s22 =	sadd.s32 $0x0, s20  }
0x3f: {  	v2 =	vld [tilespmem:s21+$0x10];
	s19 =	smul.u32 $0x10200, s31;
	[tilespmem:s22+$0x3870 ss:$0x81] =	vst.msk $0xffff, v0  }
0x40: {  	[tilespmem:s22+$0x810 ss:$0x81] =	vst.msk $0xffff, v3;
	v3 =	vld [tilespmem:s21+$0x20]  }
0x41: {  	s19 =	sshrl.u32 s19, $0x2;
	v0 =	vld [tilespmem:s21+$0xFFFFFFC0];
	[tilespmem:s22+$0x1020 ss:$0x81] =	vst.msk $0xffff, v4;
	s21 =	sadd.s32 $0x80, s21  }
0x42: {  	s23 =	simm.s32 $0x4;
	s24 =	simm.s32 $0x8;
	s19 =	sor.u32 $0x8000, s19;
	[tilespmem:s22+$0x1830 ss:$0x81] =	vst.msk $0xffff, v5;
	v4 =	vld [tilespmem:s21+$0x30]  }
.LBB1_3:
0x43: {  	p1 =	sne.s32 s24, $0x1FC;
	v5 =	vld [tilespmem:s21+$0xFFFFFFD0];
	[tilespmem:s22+$0x2040 ss:$0x81] =	vst.msk $0xffff, v1  }
0x44: {  	v6 =	vld [tilespmem:s21+$0xFFFFFFE0];
	[tilespmem:s22+$0x2850 ss:$0x81] =	vst.msk $0xffff, v2  }
0x45: {  	s25 =	sshra.s32 s23, $0x2;
	s23 =	smov.u32 s24;
	v7 =	vld [tilespmem:s21+$0xFFFFFFF0];
	[tilespmem:s22+$0x3060 ss:$0x81] =	vst.msk $0xffff, v3  }
.Ltmp3:
0x46: {  	v1 =	vld [tilespmem:s21+$0x0];
	[tilespmem:s22+$0x0 ss:$0x81] =	vst.msk $0xffff, v0;
	s22 =	sadd.s32 s25, s20;
	(pc) =	sbr.rel @p1 .LBB1_3-.Ltmp3, $4  }
0x47: {  	v2 =	vld [tilespmem:s21+$0x10];
	[tilespmem:s22+$0x3870 ss:$0x81] =	vst.msk $0xffff, v4  }
0x48: {  	[tilespmem:s22+$0x810 ss:$0x81] =	vst.msk $0xffff, v5;
	v3 =	vld [tilespmem:s21+$0x20]  }
0x49: {  	v0 =	vld [tilespmem:s21+$0xFFFFFFC0];
	[tilespmem:s22+$0x1020 ss:$0x81] =	vst.msk $0xffff, v6;
	s21 =	sadd.s32 $0x80, s21  }
0x4a: {  	s24 =	sadd.s32 $0x4, s24;
	v4 =	vld [tilespmem:s21+$0x30];
	[tilespmem:s22+$0x1830 ss:$0x81] =	vst.msk $0xffff, v7  }
.Ltmp4:
0x4b: {  	_ = 	snop;
	(pc) =	sbr.rel .LBB1_4-.Ltmp4, $1  }
0x4c: {  	_ =	sdelay $0x3  }
.LBB1_6:
0x4d: {  	_ =	sfence.sel $0x180000  }
0x4e: {  	s2 =	simm.s32 $0x1;
	[bflag:$0x0] =	sbarrier.arrive $0xFFFF  }
0x4f: {  	s31 =	simm.s32 $0x2;
	[sflag:s2] =	ssyncpa.u1 $0x1  }
0x50: {  	[sflag:s31] =	ssyncpa.u1 $0x1  }
0x51: {  	p0 =	sne.s32 s0, $0x0;
	_ =	strace $0x90000047  }
0x52: {  	s0 =	sadd.s32 @!p0 $0x100000, s1;
	[bflag:$0x2] =	sbarrier.arrive $0xFFFF  }
0x53: {  	[sflag:s0] =	ssyncadd.tile.s32 @!p0 $0x1;
	_ =	shalt  }
.Lfunc_end1:
_tile_overlayer_lowered:
.L_overlay_start_2:
0x54: {  	(tag) =	ssettag $0x2  }
0x55: {  	s0 =	rddreg [dreg:$0x0];
	s2 =	stileid.u32  }
0x56: {  	s1 =	rddreg [dreg:$0x1];
	p0 =	sne.s32 s2, $0x0  }
0x57: {  	s3 =	rddreg [dreg:$0x2];
	[bflag:$0x3] =	sbarrier.arrive $0xFFFF;
	s2 =	simm.s32 @!p0 $0x1C01  }
0x58: {  	[timem:s3], [sflag:s2] =	dma.local @!p0 [hbm:s0], s1  }
0x59: {  	s0 =	simm.s32 @!p0 $0x1  }
0x5a: {  	_ =	swait.ge @!p0 [sflag:s0], s1  }
0x5b: {  	s1 =	ssub.s32 @!p0 $0x0, s1;
	[sflag:s0] =	ssyncset.done @!p0 $0x0  }
0x5c: {  	[sflag:s0] =	ssyncadd.s32 @!p0 s1  }
0x5d: {  	[bflag:$0x3] =	sbarrier.arrive $0xFFFF  }
0x5e: {  	_ =	shalt  }

// kernel: sparse-core-data-format-call.cloned.1.call-start
scs
called_computation_lowered:
.L_overlay_start_0:
0x0: {  	s2 =	sld [smem:$0x3FD9]  }
0x1: {  	s3 =	sld [smem:$0x3FFE];
	_ =	sdelay $0x1  }
0x2: {  	s1 =	srdreg.scid  }
0x3: {  	s0 =	sand.u32 $0x1, s1  }
0x4: {  	s16 =	sshll.u32 s0, $0xA;
	s2 =	sadd.s32 s3, s2  }
0x5: {  	s2 =	sadd.s32 s2, s16  }
0x6: {  	[smem:$0x3FB8] =	sst s2  }
0x7: {  	_ = 	snop  }
0x8: {  	s2 =	sld [smem:$0x3FD0];
	_ =	sdelay $0x2  }
0x9: {  	s17 =	simm.s32 $0xB;
	s4 =	simm.s32 $0x10  }
0xa: {  	[smem:s4], [sflag:s17] =	dma.local [hbm:s2], $0x1  }
0xb: {  	_ =	swait.eq [sflag:s17], $0x1  }
0xc: {  	[sflag:s17] =	ssyncset.done $0x0  }
0xd: {  	[sflag:s17] =	ssyncadd.s32 $0xFFFFFFFF  }
0xe: {  	s18 =	sld [smem:$0x15];
	(tm) =	ssettm $0x1  }
0xf: {  	s19 =	sld [smem:$0x3FFB];
	_ =	sdelay $0x3  }
0x10: {  	_ =	strace s19  }
0x11: {  	s2 =	sld [smem:$0x3FFC];
	_ =	sdelay $0x3  }
0x12: {  	_ =	strace s2  }
0x13: {  	s2 =	sld [smem:$0x3FFD];
	_ =	sdelay $0x3  }
0x14: {  	_ =	strace s2  }
0x15: {  	_ =	strace $0x8FFFFFFF  }
0x16: {  	s20 =	sld [smem:$0x3FDB];
	_ =	sdelay $0x1  }
0x17: {  	s21 =	simm.s32 $_scs_section_size  }
0x18: {  	s5 =	simm.s32 $_size__tile_overlayer_lowered;
	s6 =	simm.s32 $_tile_overlayer_lowered  }
0x19: {  	s7 =	simm.s32 $0x1BFF;
	s22 =	sshll.u32 s6, $0x1;
	s4 =	sadd.s32 s21, s20  }
0x1a: {  	s23 =	simm.s32 $0x0;
	s5 =	sshll.u32 s5, $0x1;
	s6 =	sadd.s32 s22, s4  }
0x1b: {  	[timem:s23], [sflag:s7] =	dma.local [hbm:s6], s5  }
0x1c: {  	_ =	swait.ge [sflag:s7], s5  }
0x1d: {  	s5 =	ssub.s32 $0x0, s5;
	[sflag:s7] =	ssyncset.done $0x0  }
0x1e: {  	[sflag:s7] =	ssyncadd.s32 s5;
	_ =	sdelay $0x1  }
0x1f: {  	s24 =	simm.s32 $0x1B8B  }
0x20: {  	_ =	swait.ge [sflag:s24], $0x1  }
0x21: {  	[sflag:s24] =	ssyncset.done $0x0  }
0x22: {  	[sflag:s24] =	ssyncadd.s32 $0xFFFFFFFF  }
0x23: {  	s5 =	sld [smem:$0x0]  }
0x24: {  	s6 =	sand.u32 $0xFFFFFFFE, s1  }
0x25: {  	p0 =	sne.s32 s1, s6  }
0x26: {  	s6 =	sshll.u32 @p0 s6, $0xE  }
0x27: {  	s6 =	sadd.s32 @p0 $0x11B8D, s6;
	s7 =	sshll.u32 @p0 s5, $0x11  }
0x28: {  	s6 =	sor.u32 @p0 s7, s6  }
0x29: {  	[sflag:s6] =	ssyncadd.remote.s32 @p0 $0x1;
	_ =	sdelay $0x1  }
0x2a: {  	s6 =	simm.s32 @p0 $0x1B8D  }
0x2b: {  	_ =	swait.eq @p0 [sflag:s6], $0x1  }
0x2c: {  	[sflag:s6] =	ssyncadd.s32 @p0 $0xFFFFFFFF  }
0x2d: {  	s7 =	sshll.u32 @!p0 s1, $0xE  }
0x2e: {  	s7 =	sor.u32 @!p0 $0x4000, s7;
	s6 =	simm.s32 @!p0 $0x1B8D  }
0x2f: {  	s5 =	sshll.u32 @!p0 s5, $0x11;
	s7 =	sadd.s32 @!p0 $0x11B8D, s7;
	_ =	swait.eq @!p0 [sflag:s6], $0x1  }
0x30: {  	s5 =	sor.u32 @!p0 s5, s7;
	[sflag:s6] =	ssyncadd.s32 @!p0 $0xFFFFFFFF  }
0x31: {  	s26 =	simm.s32 $0x1B8E;
	s25 =	sld [smem:$0x3FFE];
	[sflag:s5] =	ssyncadd.remote.s32 @!p0 $0x1  }
0x32: {  	s27 =	simm.s32 $execute0_lowered;
	[smem:$0x3FD2] =	sst s26  }
0x33: {  	s6 =	sshll.u32 s27, $0x1;
	_ =	strace $0x80000058;
	[dreg:$0x1] =	wrdreg $0xFFFFFFFF  }
0x34: {  	s28 =	simm.s32 $_size_execute0_lowered;
	s4 =	sadd.s32 s4, s6;
	[dreg:$0x0] =	wrdreg $0x0  }
0x35: {  	s6 =	sshll.u32 s28, $0x1;
	[dreg:$0x2] =	wrdreg s4  }
0x36: {  	[dreg:$0x3] =	wrdreg s6  }
0x37: {  	[dreg:$0x4] =	wrdreg $0xC0  }
0x38: {  	_ =	task [dreg:s23], $0x5FFFF  }
0x39: {  	[dreg:$0x1] =	wrdreg $0xFFFFFFFF  }
0x3a: {  	[dreg:$0x0] =	wrdreg $0x60  }
0x3b: {  	[dreg:$0x2] =	wrdreg s25  }
0x3c: {  	[dreg:$0x3] =	wrdreg s18  }
0x3d: {  	[dreg:$0x4] =	wrdreg $0x9  }
0x3e: {  	_ =	task.clear_ibuf [dreg:s23], $0x5FFFF;
	_ =	strace $0x90000058  }
0x3f: {  	s29 =	simm.s32 $0x9;
	_ =	strace $0x8000005A  }
0x40: {  	_ =	swait.ge [sflag:s29], $0x1  }
0x41: {  	[sflag:s29] =	ssyncadd.s32 $0xFFFFFFFF  }
0x42: {  	_ =	strace $0x9000005A  }
0x43: {  	_ =	sfence  }
0x44: {  	s30 =	sld [smem:$0x0];
	_ =	sdelay $0x2  }
0x45: {  	s31 =	sshll.u32 s1, $0xD;
	s1 =	sshrl.u32 s1, $0x2  }
0x46: {  	s4 =	sand.u32 $0x4000, s31;
	s1 =	sadd.s32 s1, s30  }
0x47: {  	s0 =	sor.u32 s4, s0;
	s1 =	sshll.u32 s1, $0x11  }
0x48: {  	s0 =	sor.u32 s1, s0  }
0x49: {  	s0 =	sadd.s32 $0x8F2B, s0  }
0x4a: {  	[sflag:s0] =	ssyncadd.remote.s32 $0x1  }
0x4b: {  	_ =	sfence.sel $0xFFFF  }
0x4c: {  	[dreg:$0x0] =	wrdreg $0xFFFFFFFF;
	(pc) =	sbr.abs _section_cstart, $3  }
0x4d: {  	[dreg:$0x1] =	wrdreg $0xFFFFFFFF  }
0x4e: {  	_ =	task.clear_ibuf [dreg:s23], $0x2FFFF;
	_ =	strace $0x9FFFFFFF  }
0x4f: {  	(tm) =	ssettm $0x7FFFFFFF  }
tec
execute0_lowered:
.L_overlay_start_1:
0x0: {  	(tag) =	ssettag $0x1  }
0x1: {  	s0 =	stileid.u32;
	s4 =	rddreg [dreg:$0x0]  }
0x2: {  	s1 =	srdreg.scid;
	s3 =	rddreg [dreg:$0x1];
	s7 =	simm.s32 $0x1  }
0x3: {  	s31 =	simm.s32 $0x2;
	s2 =	sshll.u32 s0, $0x4;
	s1 =	sshll.u32 s1, $0x8  }
0x4: {  	s15 =	simm.s32 $0x0;
	s9 =	simm.s32 $0x2000;
	s1 =	sor.u32 s2, s1  }
0x5: {  	s14 =	simm.s32 $0x0;
	s16 =	simm.s32 $0x0;
	s2 =	sand.u32 $0x180, s1  }
0x6: {  	s10 =	simm.s32 $0x0;
	s13 =	simm.s32 $0x0;
	s5 =	ssub.s32 $0x400, s2  }
0x7: {  	s4 =	sadd.s32 $0x340000, s4;
	s1 =	rddreg [dreg:$0x2];
	s6 =	sand.u32 $0x180, s5  }
.Ltmp0:
0x8: {  	_ =	strace $0x80000059;
	p0 =	sne.s32 s6, $0x0;
	(pc) =	sbr.rel .LBB1_1-.Ltmp0, $4  }
0x9: {  	s11 =	smov.u32 s2;
	s8 =	sshrl.u32 s5, $0x9;
	s7 =	simm.s32 @!p0 $0x0  }
0xa: {  	s5 =	sand.u32 $0x7, s0;
	s6 =	simm.s32 $0x1;
	s7 =	sadd.s32 s7, s8  }
0xb: {  	s12 =	smov.u32 s5;
	[sflag:s6] =	ssyncpa.u1 $0x0;
	s7 =	sshll.u32 s7, $0x6  }
0xc: {  	p0 =	por $0x0, $0x0;
	[sflag:s31] =	ssyncpa.u1 $0x0;
	s8 =	sor.u32 $0x1, s7  }
.LBB1_4:
0xd: {  	s16 =	sshll.u32 s16, $0x13  }
0xe: {  	s19 =	sand.u32 $0x1F80, s14;
	s15 =	sshll.u32 s15, $0xD;
	s16 =	sadd.s32 s3, s16  }
0xf: {  	[tilespmem:s18+$0x810 ss:$0x81] =	vst.msk $0xffff, v2;
	s20 =	sshrl.u32 s14, $0x3;
	s30 =	sand.u32 $0x7, s14;
	s16 =	sadd.s32 s19, s16  }
0x10: {  	[tilespmem:s18+$0x1020 ss:$0x81] =	vst.msk $0xffff, v0;
	s31 =	sand.u32 $0xF, s20;
	s14 =	sshll.u32 s30, $0x12;
	s15 =	sadd.s32 s15, s16  }
0x11: {  	[tilespmem:s18+$0x0 ss:$0x81] =	vst.msk $0xffff, v1;
	s14 =	sor.u32 $0x400, s14;
	s15 =	sadd.s32 s31, s15  }
0x12: {  	[hbm4b:s15+s14] =	stream.strided.scatter [tilespmem:s17], [sflag:$0x2], $0x2000, s9, s14, $0x20;
	[tilespmem:$0x8080] =	vst v63  }
.LBB1_5:
0x13: {  	s17 =	sadd.s32 $0x1, s10  }
0x14: {  	s14 =	sadd.s32 $0x200, s11;
	s18 =	smov.u32 s11;
	p2 =	sgt.s32 s17, $0x3F  }
0x15: {  	s18 =	smov.u32 @p2 s14  }
0x16: {  	s20 =	smov.u32 s12;
	s14 =	sadd.s32 $0x8, s12;
	p3 =	sgt.s32 s18, $0x3FF  }
0x17: {  	s20 =	smov.u32 @p3 s14  }
0x18: {  	s17 =	simm.s32 @p2 $0x0;
	p2 =	sgt.s32 s20, $0x7  }
0x19: {  	p1 =	slt.u32 s13, $0x2;
	s20 =	smov.u32 @p2 s5;
	p2 =	sne.s32 s13, s8  }
.Ltmp1:
0x1a: {  	s19 =	simm.s32 @!p1 $0x2;
	(pc) =	sbr.rel @!p2 .LBB1_6-.Ltmp1, $4  }
0x1b: {  	s15 =	smov.u32 s10;
	s16 =	smov.u32 s12;
	_ =	swait.ge @!p1 [sflag:s19], $0x2000  }
0x1c: {  	p0 =	por !p0, !p0;
	[sflag:s19] =	ssyncset.done @!p1 $0x0;
	s10 =	smov.u32 s17  }
0x1d: {  	s18 =	smov.u32 @p3 s2;
	s14 =	smov.u32 s11;
	[sflag:s19] =	ssyncadd.s32 @!p1 $0xFFFFE000  }
0x1e: {  	s11 =	smov.u32 s18;
	s13 =	sadd.s32 $0x1, s13;
	s12 =	smov.u32 s20  }
.LBB1_1:
0x1f: {  	p1 =	sge.u32 s13, s7;
	s31 =	sadd.s32 $0xFFFFFFFF, s13  }
0x20: {  	s17 =	sxor.u32 @!p1 $0xFFFFFFFF, s13;
	s18 =	sshll.u32 @!p1 s12, $0x14;
	s19 =	sshll.u32 @!p1 s11, $0xA  }
0x21: {  	s20 =	sshll.u32 @!p1 s10, $0x4;
	s17 =	sshll.u32 @!p1 s17, $0xD;
	s18 =	sadd.s32 @!p1 s4, s18  }
0x22: {  	s20 =	sand.u32 @!p1 $0x3F0, s20;
	s17 =	sand.u32 @!p1 $0x2000, s17;
	s18 =	sadd.s32 @!p1 s19, s18  }
0x23: {  	s19 =	simm.s32 @!p1 $0x40;
	s18 =	sadd.s32 @!p1 s20, s18;
	s20 =	simm.s32 @!p1 $0x2000  }
0x24: {  	[tilespmem:s17], [sflag:$0x1] =	stream.strided.gather @!p1 [hbm4b:s18+s19], $0x2000, s20, s19, $0x38;
	[tilespmem:$0x8080] =	vst v63  }
0x25: {  	p1 =	sge.u32 s31, s7  }
.Ltmp2:
0x26: {  	_ = 	snop;
	(pc) =	sbr.rel @p1 .LBB1_5-.Ltmp2, $1  }
0x27: {  	_ =	sdelay $0x3  }
0x28: {  	s17 =	simm.s32 $0x1  }
0x29: {  	_ =	swait.ge [sflag:s6], $0x2000;
	s17 =	simm.s32 @!p0 $0x0  }
0x2a: {  	[sflag:s6] =	ssyncset.done $0x0;
	s18 =	sshll.u32 s17, $0xD  }
0x2b: {  	[sflag:s6] =	ssyncadd.s32 $0xFFFFE000;
	s21 =	sor.u32 $0x20, s18  }
0x2c: {  	s17 =	smul.u32 $0x8100, s17;
	v3 =	vld [tilespmem:s21+$0x10]  }
0x2d: {  	s30 =	sand.u32 $0x1, s13;
	v2 =	vld [tilespmem:s21+$0xFFFFFFF0]  }
0x2e: {  	s18 =	smul.u32 $0x8100, s30;
	s17 =	sshrl.u32 s17, $0x2;
	v0 =	vld [tilespmem:s21+$0x0]  }
0x2f: {  	v1 =	vld [tilespmem:s21+$0xFFFFFFE0];
	s19 =	sor.u32 $0x4000, s17  }
0x30: {  	s31 =	sshrl.u32 s18, $0x2;
	s18 =	sadd.s32 $0x0, s19  }
0x31: {  	s20 =	simm.s32 $0x4;
	s21 =	sadd.s32 $0x40, s21;
	s17 =	sor.u32 $0x4000, s31;
	[tilespmem:s18+$0x1830 ss:$0x81] =	vst.msk $0xffff, v3  }
.LBB1_3:
0x32: {  	v3 =	vld [tilespmem:s21+$0x10];
	p1 =	sne.s32 s20, $0x1FC;
	[tilespmem:s18+$0x810 ss:$0x81] =	vst.msk $0xffff, v2;
	s22 =	smov.u32 s20;
	s20 =	sadd.s32 $0x4, s20  }
.Ltmp3:
0x33: {  	v2 =	vld [tilespmem:s21+$0xFFFFFFF0];
	[tilespmem:s18+$0x1020 ss:$0x81] =	vst.msk $0xffff, v0;
	(pc) =	sbr.rel @p1 .LBB1_3-.Ltmp3, $4  }
0x34: {  	v0 =	vld [tilespmem:s21+$0x0];
	[tilespmem:s18+$0x0 ss:$0x81] =	vst.msk $0xffff, v1  }
0x35: {  	s18 =	sshra.s32 s22, $0x2;
	v1 =	vld [tilespmem:s21+$0xFFFFFFE0]  }
0x36: {  	s18 =	sadd.s32 s18, s19  }
0x37: {  	s21 =	sadd.s32 $0x40, s21;
	[tilespmem:s18+$0x1830 ss:$0x81] =	vst.msk $0xffff, v3  }
.Ltmp4:
0x38: {  	_ = 	snop;
	(pc) =	sbr.rel .LBB1_4-.Ltmp4, $1  }
0x39: {  	_ =	sdelay $0x3  }
.LBB1_6:
0x3a: {  	_ =	sfence.sel $0x180000  }
0x3b: {  	s2 =	simm.s32 $0x1;
	[bflag:$0x0] =	sbarrier.arrive $0xFFFF  }
0x3c: {  	s31 =	simm.s32 $0x2;
	[sflag:s2] =	ssyncpa.u1 $0x1  }
0x3d: {  	[sflag:s31] =	ssyncpa.u1 $0x1  }
0x3e: {  	p0 =	sne.s32 s0, $0x0;
	_ =	strace $0x90000059  }
0x3f: {  	s0 =	sadd.s32 @!p0 $0x100000, s1;
	[bflag:$0x2] =	sbarrier.arrive $0xFFFF  }
0x40: {  	[sflag:s0] =	ssyncadd.tile.s32 @!p0 $0x1;
	_ =	shalt  }
.Lfunc_end1:
_tile_overlayer_lowered:
.L_overlay_start_2:
0x41: {  	(tag) =	ssettag $0x2  }
0x42: {  	s0 =	rddreg [dreg:$0x0];
	s2 =	stileid.u32  }
0x43: {  	s1 =	rddreg [dreg:$0x1];
	p0 =	sne.s32 s2, $0x0  }
0x44: {  	s3 =	rddreg [dreg:$0x2];
	[bflag:$0x3] =	sbarrier.arrive $0xFFFF;
	s2 =	simm.s32 @!p0 $0x1C01  }
0x45: {  	[timem:s3], [sflag:s2] =	dma.local @!p0 [hbm:s0], s1  }
0x46: {  	s0 =	simm.s32 @!p0 $0x1  }
0x47: {  	_ =	swait.ge @!p0 [sflag:s0], s1  }
0x48: {  	s1 =	ssub.s32 @!p0 $0x0, s1;
	[sflag:s0] =	ssyncset.done @!p0 $0x0  }
0x49: {  	[sflag:s0] =	ssyncadd.s32 @!p0 s1  }
0x4a: {  	[bflag:$0x3] =	sbarrier.arrive $0xFFFF  }
0x4b: {  	_ =	shalt  }

</sc_bundles>
